<compile_context>
chip_gen: v7x
topology: tpu7x:2x2x1
jax: 0.10.2.dev20260603
libtpu: 0.0.44.dev20260713+nightly
codegen_flags: <defaults>
</compile_context>

<pallas_src>
import functools

import jax
import jax.numpy as jnp
from jax import lax
from jax.experimental import pallas as pl
from jax.experimental.pallas import tpu as pltpu
from jax.experimental.pallas import tpu_sc as plsc

N_NODES = 10000
N_EDGES = 320000
D = 128

NC = 2
NS = 16
NW = NC * NS

EDGES_PER_TILE = N_EDGES // NW
CHUNK = 40
NSTEPS = EDGES_PER_TILE // CHUNK
NBUF = 7

RCHUNK = 40
NRCHUNKS = N_NODES // RCHUNK
DCHUNK = 400
NDCHUNKS = N_NODES // DCHUNK


def _sc_segment_sum(x, src, dst):
    mesh = plsc.VectorSubcoreMesh(core_axis_name="c", subcore_axis_name="s")

    @functools.partial(
        pl.kernel,
        mesh=mesh,
        out_type=jax.ShapeDtypeStruct((NC * N_NODES, D), jnp.float32),
        scratch_types=(
            [pltpu.VMEM((EDGES_PER_TILE,), jnp.int32)]
            + [pltpu.VMEM((CHUNK,), jnp.int32) for _ in range(NBUF)]
            + [pltpu.VMEM((CHUNK, D), jnp.float32) for _ in range(NBUF)]
            + [pltpu.VMEM_SHARED((N_NODES, D), jnp.float32)]
            + [pltpu.SemaphoreType.DMA for _ in range(3 * NBUF)]
        ),
    )
    def seg_sum(x_hbm, src_hbm, dst_hbm, out_hbm, src_all, *rest):
        dstbuf = rest[:NBUF]
        rows = rest[NBUF:2 * NBUF]
        acc = rest[2 * NBUF]
        gsem = rest[2 * NBUF + 1:2 * NBUF + 1 + NBUF]
        ssem = rest[2 * NBUF + 1 + NBUF:2 * NBUF + 1 + 2 * NBUF]
        isem = rest[2 * NBUF + 1 + 2 * NBUF:]
        c = lax.axis_index("c")
        s = lax.axis_index("s")
        base0 = c * (N_EDGES // NC) + s * EDGES_PER_TILE

        pltpu.sync_copy(src_hbm.at[pl.ds(base0, EDGES_PER_TILE)], src_all)

        def issue(j, b):
            pltpu.async_copy(
                dst_hbm.at[pl.ds(base0 + j * CHUNK, CHUNK)], dstbuf[b],
                isem[b])
            pltpu.async_copy(
                x_hbm.at[src_all.at[pl.ds(j * CHUNK, CHUNK)]], rows[b],
                gsem[b])

        def wait_in(b):
            pltpu.make_async_copy(
                dst_hbm.at[pl.ds(base0, CHUNK)], dstbuf[b], isem[b]).wait()
            pltpu.make_async_copy(
                x_hbm.at[src_all.at[pl.ds(0, CHUNK)]], rows[b],
                gsem[b]).wait()

        def scatter(b):
            pltpu.async_copy(rows[b], acc.at[dstbuf[b]], ssem[b], add=True)

        def wait_scatter(b):
            pltpu.make_async_copy(rows[b], acc.at[dstbuf[b]], ssem[b]).wait()

        for b in range(NBUF - 1):
            issue(b, b)

        zero = jnp.zeros((16,), jnp.float32)
        zrows = rows[NBUF - 1]

        def zstep(i, carry):
            r = i // (D // 16)
            col = (i % (D // 16)) * 16
            zrows[r, pl.ds(col, 16)] = zero
            return carry

        lax.fori_loop(0, CHUNK * (D // 16), zstep, 0)

        def zcopy(kk, carry):
            chunk = kk * NS + s
            @pl.when(chunk < NRCHUNKS)
            def _():
                pltpu.sync_copy(zrows, acc.at[pl.ds(chunk * RCHUNK, RCHUNK)])
            return carry

        lax.fori_loop(0, (NRCHUNKS + NS - 1) // NS, zcopy, 0)
        issue(NBUF - 1, NBUF - 1)
        plsc.subcore_barrier()

        def body(i, carry):
            for b in range(NBUF):
                j = NBUF * i + b

                @pl.when(j < NSTEPS)
                def _(b=b):
                    wait_in(b)
                    scatter(b)

            for b in range(NBUF):
                j = NBUF * i + b

                @pl.when(j + NBUF < NSTEPS)
                def _(b=b, j=j):
                    wait_scatter(b)
                    issue(j + NBUF, b)

            return carry

        lax.fori_loop(0, (NSTEPS + NBUF - 1) // NBUF, body, 0)
        for b in range(NBUF):
            wait_scatter(b)
        plsc.subcore_barrier()

        def dcopy(kk, carry):
            chunk = kk * NS + s
            @pl.when(chunk < NDCHUNKS)
            def _():
                r0 = chunk * DCHUNK
                pltpu.sync_copy(
                    acc.at[pl.ds(r0, DCHUNK)],
                    out_hbm.at[pl.ds(c * N_NODES + r0, DCHUNK)])
            return carry

        lax.fori_loop(0, (NDCHUNKS + NS - 1) // NS, dcopy, 0)

    return seg_sum(x, src, dst)


def _mlp(eps, x, parts, W1t, b1, gamma, beta, W2t, b2):
    BLK = 1000

    def body(eps_ref, x_ref, p0_ref, p1_ref, W1_ref, b1_ref, g_ref, be_ref,
             W2_ref, b2_ref, o_ref):
        h = x_ref[...] * (1.0 + eps_ref[0]) + p0_ref[...] + p1_ref[...]
        h = jnp.dot(h, W1_ref[...], preferred_element_type=jnp.float32)
        h = h + b1_ref[...]
        mu = jnp.mean(h, axis=-1, keepdims=True)
        hc = h - mu
        var = jnp.mean(hc * hc, axis=-1, keepdims=True)
        h = hc * lax.rsqrt(var + 1e-5) * g_ref[...] + be_ref[...]
        h = jnp.maximum(h, 0.0)
        o_ref[...] = (
            jnp.dot(h, W2_ref[...], preferred_element_type=jnp.float32)
            + b2_ref[...])

    full = lambda i: (0, 0)
    nblk = N_NODES // BLK
    return pl.pallas_call(
        body,
        grid=(nblk,),
        in_specs=[
            pl.BlockSpec(memory_space=pltpu.SMEM),
            pl.BlockSpec((BLK, D), lambda i: (i, 0)),
            pl.BlockSpec((BLK, D), lambda i: (i, 0)),
            pl.BlockSpec((BLK, D), lambda i: (i + N_NODES // BLK, 0)),
            pl.BlockSpec((D, D), full),
            pl.BlockSpec((1, D), full),
            pl.BlockSpec((1, D), full),
            pl.BlockSpec((1, D), full),
            pl.BlockSpec((D, D), full),
            pl.BlockSpec((1, D), full),
        ],
        out_specs=pl.BlockSpec((BLK, D), lambda i: (i, 0)),
        out_shape=jax.ShapeDtypeStruct((N_NODES, D), jnp.float32),
    )(eps, x, parts, parts, W1t, b1, gamma, beta, W2t, b2)


def kernel(x, edge_index, eps, W1, b1, gamma, beta, W2, b2):
    src = edge_index[0].astype(jnp.int32)
    dst = edge_index[1].astype(jnp.int32)
    parts = _sc_segment_sum(x, src, dst)
    return _mlp(
        eps.reshape(1), x, parts,
        W1.T, b1.reshape(1, D), gamma.reshape(1, D), beta.reshape(1, D),
        W2.T, b2.reshape(1, D))

# --- scband reference (transcript-rebuilt; emitter-appended) ---
"""Pipeline reference for scband-custom-gin-36283883716970 (READ-ONLY COPY).

The authoritative reference and input builder live on the scoring server;
editing this copy changes nothing except your own understanding.
"""

import jax, jax.numpy as jnp
import numpy as np

N_NODES = 10000
N_EDGES = 320000
D_IN = 128
D_EMB = 128


def setup_inputs(seed: int = 0) -> dict:
    key = jax.random.key(seed)
    ks = jax.random.split(key, 8)
    x = jax.random.normal(ks[0], (N_NODES, D_IN), dtype=jnp.float32)
    edge_index = jax.random.randint(ks[1], (2, N_EDGES), 0, N_NODES, dtype=jnp.int64)
    # GIN learnable epsilon (train_eps=True, initialized to 0)
    eps = jnp.zeros((), dtype=jnp.float32)
    # MLP: Linear(in_dim, emb_dim) -> LayerNorm(emb_dim) -> ReLU -> Linear(emb_dim, emb_dim)
    s1 = 1.0 / np.sqrt(D_IN)
    W1 = jax.random.uniform(ks[2], (D_EMB, D_IN), minval=-s1, maxval=s1, dtype=jnp.float32)
    b1 = jax.random.uniform(ks[3], (D_EMB,), minval=-s1, maxval=s1, dtype=jnp.float32)
    gamma = jnp.ones((D_EMB,), dtype=jnp.float32)
    beta = jnp.zeros((D_EMB,), dtype=jnp.float32)
    s2 = 1.0 / np.sqrt(D_EMB)
    W2 = jax.random.uniform(ks[4], (D_EMB, D_EMB), minval=-s2, maxval=s2, dtype=jnp.float32)
    b2 = jax.random.uniform(ks[5], (D_EMB,), minval=-s2, maxval=s2, dtype=jnp.float32)
    return {"x": x, "edge_index": edge_index, "eps": eps, "W1": W1, "b1": b1, "gamma": gamma, "beta": beta, "W2": W2, "b2": b2}


def reference(x, edge_index, eps, W1, b1, gamma, beta, W2, b2):
    # GINConv: h = mlp((1 + eps) * x + sum_{j in N(i)} x_j)
    src = edge_index[0]
    dst = edge_index[1]
    msgs = jnp.take(x, src, axis=0)  # gather source node features per edge
    agg = jax.ops.segment_sum(msgs, dst, num_segments=x.shape[0])  # scatter-add to dst
    h = (1.0 + eps) * x + agg
    # Linear 1
    h = h @ W1.T + b1
    # LayerNorm
    mu = jnp.mean(h, axis=-1, keepdims=True)
    var = jnp.var(h, axis=-1, keepdims=True)
    h = (h - mu) / jnp.sqrt(var + 1e-5) * gamma + beta
    # ReLU
    h = jax.nn.relu(h)
    # Linear 2
    out = h @ W2.T + b2
    return out

if __name__ == "__main__":
    import jax
    _d = setup_inputs()
    print(jax.jit(kernel)(*tuple(_d.values())))

</pallas_src>

<mosaic_0001>
#map = affine_map<(d0, d1) -> (0, 0)>
#map1 = affine_map<(d0, d1) -> (0)>
module attributes {stable_mosaic.version = 14 : i64} {
  func.func @seg_sum(%arg0: i32, %arg1: i32, %arg2: memref<10000x128xf32, #tpu.memory_space<hbm>>, %arg3: memref<320000xi32, #tpu.memory_space<hbm>>, %arg4: memref<320000xi32, #tpu.memory_space<hbm>>, %arg5: memref<20000x128xf32, #tpu.memory_space<hbm>>, %arg6: memref<10000xi32, #tpu.memory_space<vmem>>, %arg7: memref<40xi32, #tpu.memory_space<vmem>>, %arg8: memref<40xi32, #tpu.memory_space<vmem>>, %arg9: memref<40xi32, #tpu.memory_space<vmem>>, %arg10: memref<40xi32, #tpu.memory_space<vmem>>, %arg11: memref<40xi32, #tpu.memory_space<vmem>>, %arg12: memref<40xi32, #tpu.memory_space<vmem>>, %arg13: memref<40xi32, #tpu.memory_space<vmem>>, %arg14: memref<40x128xf32, #tpu.memory_space<vmem>>, %arg15: memref<40x128xf32, #tpu.memory_space<vmem>>, %arg16: memref<40x128xf32, #tpu.memory_space<vmem>>, %arg17: memref<40x128xf32, #tpu.memory_space<vmem>>, %arg18: memref<40x128xf32, #tpu.memory_space<vmem>>, %arg19: memref<40x128xf32, #tpu.memory_space<vmem>>, %arg20: memref<40x128xf32, #tpu.memory_space<vmem>>, %arg21: memref<10000x128xf32, #tpu.memory_space<vmem_shared>>, %arg22: memref<!tpu.dma_semaphore, #tpu.memory_space<semaphore_mem>>, %arg23: memref<!tpu.dma_semaphore, #tpu.memory_space<semaphore_mem>>, %arg24: memref<!tpu.dma_semaphore, #tpu.memory_space<semaphore_mem>>, %arg25: memref<!tpu.dma_semaphore, #tpu.memory_space<semaphore_mem>>, %arg26: memref<!tpu.dma_semaphore, #tpu.memory_space<semaphore_mem>>, %arg27: memref<!tpu.dma_semaphore, #tpu.memory_space<semaphore_mem>>, %arg28: memref<!tpu.dma_semaphore, #tpu.memory_space<semaphore_mem>>, %arg29: memref<!tpu.dma_semaphore, #tpu.memory_space<semaphore_mem>>, %arg30: memref<!tpu.dma_semaphore, #tpu.memory_space<semaphore_mem>>, %arg31: memref<!tpu.dma_semaphore, #tpu.memory_space<semaphore_mem>>, %arg32: memref<!tpu.dma_semaphore, #tpu.memory_space<semaphore_mem>>, %arg33: memref<!tpu.dma_semaphore, #tpu.memory_space<semaphore_mem>>, %arg34: memref<!tpu.dma_semaphore, #tpu.memory_space<semaphore_mem>>, %arg35: memref<!tpu.dma_semaphore, #tpu.memory_space<semaphore_mem>>, %arg36: memref<!tpu.dma_semaphore, #tpu.memory_space<semaphore_mem>>, %arg37: memref<!tpu.dma_semaphore, #tpu.memory_space<semaphore_mem>>, %arg38: memref<!tpu.dma_semaphore, #tpu.memory_space<semaphore_mem>>, %arg39: memref<!tpu.dma_semaphore, #tpu.memory_space<semaphore_mem>>, %arg40: memref<!tpu.dma_semaphore, #tpu.memory_space<semaphore_mem>>, %arg41: memref<!tpu.dma_semaphore, #tpu.memory_space<semaphore_mem>>, %arg42: memref<!tpu.dma_semaphore, #tpu.memory_space<semaphore_mem>>) attributes {dimension_semantics = [#tpu.dimension_semantics<core_parallel>, #tpu.dimension_semantics<subcore_parallel>], iteration_bounds = array<i64: 2, 16>, scalar_prefetch = 0 : i64, scratch_operands = 37 : i64, tpu.core_type = #tpu.core_type<sc_vector_subcore>, window_params = [{transform_indices = #map}, {transform_indices = #map1}, {transform_indices = #map1}, {transform_indices = #map}]} {
    %mul3A = arith.constant 160000 : i32
    %mul3A_0 = arith.muli %arg0, %mul3A : i32
    %mul3A_1 = arith.constant 10000 : i32
    %mul3A_2 = arith.muli %arg1, %mul3A_1 : i32
    %add3A = arith.addi %mul3A_0, %mul3A_2 : i32
    "tpu.region"() ({
      %run_scoped3A = tpu.sem_alloc : memref<!tpu.dma_semaphore, #tpu.memory_space<semaphore_mem>>
      %dma_start3A_110 = tpu.memref_slice %arg3[%add3A] : memref<320000xi32, #tpu.memory_space<hbm>> -> memref<10000xi32, #tpu.memory_space<hbm>>
      %dma_start3A_111 = tpu.memref_slice %arg3[%add3A] : memref<320000xi32, #tpu.memory_space<hbm>> -> memref<10000xi32, #tpu.memory_space<hbm>>
      tpu.enqueue_dma source(%dma_start3A_111 : memref<10000xi32, #tpu.memory_space<hbm>>) target(%arg6 : memref<10000xi32, #tpu.memory_space<vmem>>) target_semaphore(%run_scoped3A : memref<!tpu.dma_semaphore, #tpu.memory_space<semaphore_mem>>)
      %dma_wait3A_112 = tpu.memref_slice %arg3[%add3A] : memref<320000xi32, #tpu.memory_space<hbm>> -> memref<10000xi32, #tpu.memory_space<hbm>>
      %dma_wait3A_113 = tpu.memref_slice %arg3[%add3A] : memref<320000xi32, #tpu.memory_space<hbm>> -> memref<10000xi32, #tpu.memory_space<hbm>>
      tpu.wait_dma2 semaphore(%run_scoped3A : memref<!tpu.dma_semaphore, #tpu.memory_space<semaphore_mem>>) src(%dma_wait3A_113 : memref<10000xi32, #tpu.memory_space<hbm>>) dst(%arg6 : memref<10000xi32, #tpu.memory_space<vmem>>)
      tpu.yield
    }) : () -> ()
    %add3A_3 = arith.constant 0 : i32
    %add3A_4 = arith.addi %add3A, %add3A_3 : i32
    %dma_start3A = tpu.memref_slice %arg4[%add3A_4] : memref<320000xi32, #tpu.memory_space<hbm>> -> memref<40xi32, #tpu.memory_space<hbm>>
    %dma_start3A_5 = tpu.memref_slice %arg4[%add3A_4] : memref<320000xi32, #tpu.memory_space<hbm>> -> memref<40xi32, #tpu.memory_space<hbm>>
    tpu.enqueue_dma source(%dma_start3A_5 : memref<40xi32, #tpu.memory_space<hbm>>) target(%arg7 : memref<40xi32, #tpu.memory_space<vmem>>) target_semaphore(%arg36 : memref<!tpu.dma_semaphore, #tpu.memory_space<semaphore_mem>>)
    %dma_start3A_6 = arith.constant 0 : i32
    %dma_start3A_7 = tpu.memref_slice %arg6[%dma_start3A_6] : memref<10000xi32, #tpu.memory_space<vmem>> -> memref<40xi32, #tpu.memory_space<vmem>>
    %dma_start3A_8 = arith.constant 0 : i32
    %dma_start3A_9 = arith.constant 0 : i32
    %dma_start3A_10 = tpu.memref_slice %arg2[%dma_start3A_8, %dma_start3A_9] : memref<10000x128xf32, #tpu.memory_space<hbm>> -> memref<10000x128xf32, #tpu.memory_space<hbm>>
    tpu.enqueue_indirect_dma source(%dma_start3A_10 : memref<10000x128xf32, #tpu.memory_space<hbm>>) target(%arg14 : memref<40x128xf32, #tpu.memory_space<vmem>>) offsets(%dma_start3A_7 : memref<40xi32, #tpu.memory_space<vmem>>) semaphore(%arg22 : memref<!tpu.dma_semaphore, #tpu.memory_space<semaphore_mem>>)
    %add3A_11 = arith.constant 40 : i32
    %add3A_12 = arith.addi %add3A, %add3A_11 : i32
    %dma_start3A_13 = tpu.memref_slice %arg4[%add3A_12] : memref<320000xi32, #tpu.memory_space<hbm>> -> memref<40xi32, #tpu.memory_space<hbm>>
    %dma_start3A_14 = tpu.memref_slice %arg4[%add3A_12] : memref<320000xi32, #tpu.memory_space<hbm>> -> memref<40xi32, #tpu.memory_space<hbm>>
    tpu.enqueue_dma source(%dma_start3A_14 : memref<40xi32, #tpu.memory_space<hbm>>) target(%arg8 : memref<40xi32, #tpu.memory_space<vmem>>) target_semaphore(%arg37 : memref<!tpu.dma_semaphore, #tpu.memory_space<semaphore_mem>>)
    %dma_start3A_15 = arith.constant 40 : i32
    %dma_start3A_16 = tpu.memref_slice %arg6[%dma_start3A_15] : memref<10000xi32, #tpu.memory_space<vmem>> -> memref<40xi32, #tpu.memory_space<vmem>>
    %dma_start3A_17 = arith.constant 0 : i32
    %dma_start3A_18 = arith.constant 0 : i32
    %dma_start3A_19 = tpu.memref_slice %arg2[%dma_start3A_17, %dma_start3A_18] : memref<10000x128xf32, #tpu.memory_space<hbm>> -> memref<10000x128xf32, #tpu.memory_space<hbm>>
    tpu.enqueue_indirect_dma source(%dma_start3A_19 : memref<10000x128xf32, #tpu.memory_space<hbm>>) target(%arg15 : memref<40x128xf32, #tpu.memory_space<vmem>>) offsets(%dma_start3A_16 : memref<40xi32, #tpu.memory_space<vmem>>) semaphore(%arg23 : memref<!tpu.dma_semaphore, #tpu.memory_space<semaphore_mem>>)
    %add3A_20 = arith.constant 80 : i32
    %add3A_21 = arith.addi %add3A, %add3A_20 : i32
    %dma_start3A_22 = tpu.memref_slice %arg4[%add3A_21] : memref<320000xi32, #tpu.memory_space<hbm>> -> memref<40xi32, #tpu.memory_space<hbm>>
    %dma_start3A_23 = tpu.memref_slice %arg4[%add3A_21] : memref<320000xi32, #tpu.memory_space<hbm>> -> memref<40xi32, #tpu.memory_space<hbm>>
    tpu.enqueue_dma source(%dma_start3A_23 : memref<40xi32, #tpu.memory_space<hbm>>) target(%arg9 : memref<40xi32, #tpu.memory_space<vmem>>) target_semaphore(%arg38 : memref<!tpu.dma_semaphore, #tpu.memory_space<semaphore_mem>>)
    %dma_start3A_24 = arith.constant 80 : i32
    %dma_start3A_25 = tpu.memref_slice %arg6[%dma_start3A_24] : memref<10000xi32, #tpu.memory_space<vmem>> -> memref<40xi32, #tpu.memory_space<vmem>>
    %dma_start3A_26 = arith.constant 0 : i32
    %dma_start3A_27 = arith.constant 0 : i32
    %dma_start3A_28 = tpu.memref_slice %arg2[%dma_start3A_26, %dma_start3A_27] : memref<10000x128xf32, #tpu.memory_space<hbm>> -> memref<10000x128xf32, #tpu.memory_space<hbm>>
    tpu.enqueue_indirect_dma source(%dma_start3A_28 : memref<10000x128xf32, #tpu.memory_space<hbm>>) target(%arg16 : memref<40x128xf32, #tpu.memory_space<vmem>>) offsets(%dma_start3A_25 : memref<40xi32, #tpu.memory_space<vmem>>) semaphore(%arg24 : memref<!tpu.dma_semaphore, #tpu.memory_space<semaphore_mem>>)
    %add3A_29 = arith.constant 120 : i32
    %add3A_30 = arith.addi %add3A, %add3A_29 : i32
    %dma_start3A_31 = tpu.memref_slice %arg4[%add3A_30] : memref<320000xi32, #tpu.memory_space<hbm>> -> memref<40xi32, #tpu.memory_space<hbm>>
    %dma_start3A_32 = tpu.memref_slice %arg4[%add3A_30] : memref<320000xi32, #tpu.memory_space<hbm>> -> memref<40xi32, #tpu.memory_space<hbm>>
    tpu.enqueue_dma source(%dma_start3A_32 : memref<40xi32, #tpu.memory_space<hbm>>) target(%arg10 : memref<40xi32, #tpu.memory_space<vmem>>) target_semaphore(%arg39 : memref<!tpu.dma_semaphore, #tpu.memory_space<semaphore_mem>>)
    %dma_start3A_33 = arith.constant 120 : i32
    %dma_start3A_34 = tpu.memref_slice %arg6[%dma_start3A_33] : memref<10000xi32, #tpu.memory_space<vmem>> -> memref<40xi32, #tpu.memory_space<vmem>>
    %dma_start3A_35 = arith.constant 0 : i32
    %dma_start3A_36 = arith.constant 0 : i32
    %dma_start3A_37 = tpu.memref_slice %arg2[%dma_start3A_35, %dma_start3A_36] : memref<10000x128xf32, #tpu.memory_space<hbm>> -> memref<10000x128xf32, #tpu.memory_space<hbm>>
    tpu.enqueue_indirect_dma source(%dma_start3A_37 : memref<10000x128xf32, #tpu.memory_space<hbm>>) target(%arg17 : memref<40x128xf32, #tpu.memory_space<vmem>>) offsets(%dma_start3A_34 : memref<40xi32, #tpu.memory_space<vmem>>) semaphore(%arg25 : memref<!tpu.dma_semaphore, #tpu.memory_space<semaphore_mem>>)
    %add3A_38 = arith.constant 160 : i32
    %add3A_39 = arith.addi %add3A, %add3A_38 : i32
    %dma_start3A_40 = tpu.memref_slice %arg4[%add3A_39] : memref<320000xi32, #tpu.memory_space<hbm>> -> memref<40xi32, #tpu.memory_space<hbm>>
    %dma_start3A_41 = tpu.memref_slice %arg4[%add3A_39] : memref<320000xi32, #tpu.memory_space<hbm>> -> memref<40xi32, #tpu.memory_space<hbm>>
    tpu.enqueue_dma source(%dma_start3A_41 : memref<40xi32, #tpu.memory_space<hbm>>) target(%arg11 : memref<40xi32, #tpu.memory_space<vmem>>) target_semaphore(%arg40 : memref<!tpu.dma_semaphore, #tpu.memory_space<semaphore_mem>>)
    %dma_start3A_42 = arith.constant 160 : i32
    %dma_start3A_43 = tpu.memref_slice %arg6[%dma_start3A_42] : memref<10000xi32, #tpu.memory_space<vmem>> -> memref<40xi32, #tpu.memory_space<vmem>>
    %dma_start3A_44 = arith.constant 0 : i32
    %dma_start3A_45 = arith.constant 0 : i32
    %dma_start3A_46 = tpu.memref_slice %arg2[%dma_start3A_44, %dma_start3A_45] : memref<10000x128xf32, #tpu.memory_space<hbm>> -> memref<10000x128xf32, #tpu.memory_space<hbm>>
    tpu.enqueue_indirect_dma source(%dma_start3A_46 : memref<10000x128xf32, #tpu.memory_space<hbm>>) target(%arg18 : memref<40x128xf32, #tpu.memory_space<vmem>>) offsets(%dma_start3A_43 : memref<40xi32, #tpu.memory_space<vmem>>) semaphore(%arg26 : memref<!tpu.dma_semaphore, #tpu.memory_space<semaphore_mem>>)
    %add3A_47 = arith.constant 200 : i32
    %add3A_48 = arith.addi %add3A, %add3A_47 : i32
    %dma_start3A_49 = tpu.memref_slice %arg4[%add3A_48] : memref<320000xi32, #tpu.memory_space<hbm>> -> memref<40xi32, #tpu.memory_space<hbm>>
    %dma_start3A_50 = tpu.memref_slice %arg4[%add3A_48] : memref<320000xi32, #tpu.memory_space<hbm>> -> memref<40xi32, #tpu.memory_space<hbm>>
    tpu.enqueue_dma source(%dma_start3A_50 : memref<40xi32, #tpu.memory_space<hbm>>) target(%arg12 : memref<40xi32, #tpu.memory_space<vmem>>) target_semaphore(%arg41 : memref<!tpu.dma_semaphore, #tpu.memory_space<semaphore_mem>>)
    %dma_start3A_51 = arith.constant 200 : i32
    %dma_start3A_52 = tpu.memref_slice %arg6[%dma_start3A_51] : memref<10000xi32, #tpu.memory_space<vmem>> -> memref<40xi32, #tpu.memory_space<vmem>>
    %dma_start3A_53 = arith.constant 0 : i32
    %dma_start3A_54 = arith.constant 0 : i32
    %dma_start3A_55 = tpu.memref_slice %arg2[%dma_start3A_53, %dma_start3A_54] : memref<10000x128xf32, #tpu.memory_space<hbm>> -> memref<10000x128xf32, #tpu.memory_space<hbm>>
    tpu.enqueue_indirect_dma source(%dma_start3A_55 : memref<10000x128xf32, #tpu.memory_space<hbm>>) target(%arg19 : memref<40x128xf32, #tpu.memory_space<vmem>>) offsets(%dma_start3A_52 : memref<40xi32, #tpu.memory_space<vmem>>) semaphore(%arg27 : memref<!tpu.dma_semaphore, #tpu.memory_space<semaphore_mem>>)
    %broadcast_in_dim3A = arith.constant 0.000000e+00 : f32
    %broadcast_in_dim3A_56 = vector.broadcast %broadcast_in_dim3A : f32 to vector<16xf32>
    %scan3A = arith.constant 0 : i32
    %scan3A_57 = arith.constant 0 : i32
    %scan3A_58 = arith.constant 320 : i32
    %scan3A_59 = arith.addi %scan3A_57, %scan3A_58 : i32
    %scan3A_60 = arith.constant 1 : i32
    scf.for %scan3A_110 = %scan3A_57 to %scan3A_59 step %scan3A_60  : i32 {
      %jit3A = arith.constant 8 : i32
      %div3A = arith.divsi %scan3A_110, %jit3A : i32
      %sign3A = arith.constant 0 : i32
      %sign3A_111 = arith.cmpi sgt, %scan3A_110, %sign3A : i32
      %sign3A_112 = arith.extui %sign3A_111 : i1 to i32
      %sign3A_113 = arith.constant 0 : i32
      %sign3A_114 = arith.cmpi slt, %scan3A_110, %sign3A_113 : i32
      %sign3A_115 = arith.extui %sign3A_114 : i1 to i32
      %sign3A_116 = arith.subi %sign3A_112, %sign3A_115 : i32
      %sign3A_117 = arith.constant 0 : i32
      %sign3A_118 = arith.cmpi sgt, %jit3A, %sign3A_117 : i32
      %sign3A_119 = arith.extui %sign3A_118 : i1 to i32
      %sign3A_120 = arith.constant 0 : i32
      %sign3A_121 = arith.cmpi slt, %jit3A, %sign3A_120 : i32
      %sign3A_122 = arith.extui %sign3A_121 : i1 to i32
      %sign3A_123 = arith.subi %sign3A_119, %sign3A_122 : i32
      %ne3A = arith.cmpi ne, %sign3A_116, %sign3A_123 : i32
      %rem3A = arith.remsi %scan3A_110, %jit3A : i32
      %ne3A_124 = arith.constant 0 : i32
      %ne3A_125 = arith.cmpi ne, %rem3A, %ne3A_124 : i32
      %and3A = arith.andi %ne3A, %ne3A_125 : i1
      %sub3A = arith.constant 1 : i32
      %sub3A_126 = arith.subi %div3A, %sub3A : i32
      %select_n3A = arith.select %and3A, %sub3A_126, %div3A : i32
      %jit3A_127 = arith.constant 8 : i32
      %eq3A = arith.constant 0 : i32
      %eq3A_128 = arith.cmpi eq, %jit3A_127, %eq3A : i32
      %jit3A_129 = arith.constant 1 : i32
      %select_n3A_130 = arith.select %eq3A_128, %jit3A_129, %jit3A_127 : i32
      %rem3A_131 = arith.remsi %scan3A_110, %select_n3A_130 : i32
      %ne3A_132 = arith.constant 0 : i32
      %ne3A_133 = arith.cmpi ne, %rem3A_131, %ne3A_132 : i32
      %lt3A = arith.constant 0 : i32
      %lt3A_134 = arith.cmpi slt, %rem3A_131, %lt3A : i32
      %lt3A_135 = arith.constant 0 : i32
      %lt3A_136 = arith.cmpi slt, %select_n3A_130, %lt3A_135 : i32
      %ne3A_137 = arith.xori %lt3A_134, %lt3A_136 : i1
      %and3A_138 = arith.andi %ne3A_137, %ne3A_133 : i1
      %add3A_139 = arith.addi %rem3A_131, %select_n3A_130 : i32
      %select_n3A_140 = arith.select %and3A_138, %add3A_139, %rem3A_131 : i32
      %mul3A_141 = arith.constant 16 : i32
      %mul3A_142 = arith.muli %select_n3A_140, %mul3A_141 : i32
      %swap3A = arith.index_cast %select_n3A : i32 to index
      %swap3A_143 = arith.index_cast %mul3A_142 : i32 to index
      %swap3A_144 = tpu.vector_load %arg20[%swap3A, %swap3A_143] {strides = array<i32>} : memref<40x128xf32, #tpu.memory_space<vmem>>, vector<1x16xf32>,
      %swap3A_145 = vector.shape_cast %swap3A_144 : vector<1x16xf32> to vector<16xf32>
      %swap3A_146 = vector.shape_cast %broadcast_in_dim3A_56 : vector<16xf32> to vector<1x16xf32>
      tpu.vector_store %arg20[%swap3A, %swap3A_143], %swap3A_146 {strides = array<i32>} : memref<40x128xf32, #tpu.memory_space<vmem>>, vector<1x16xf32>,
    }
    %scan3A_61 = arith.constant 320 : i32
    %scan3A_62 = arith.constant 0 : i32
    %scan3A_63 = arith.constant 0 : i32
    %scan3A_64 = arith.constant 16 : i32
    %scan3A_65 = arith.addi %scan3A_63, %scan3A_64 : i32
    %scan3A_66 = arith.constant 1 : i32
    scf.for %scan3A_110 = %scan3A_63 to %scan3A_65 step %scan3A_66  : i32 {
      %mul3A_111 = arith.constant 16 : i32
      %mul3A_112 = arith.muli %scan3A_110, %mul3A_111 : i32
      %add3A_113 = arith.addi %mul3A_112, %arg1 : i32
      %lt3A = arith.constant 250 : i32
      %lt3A_114 = arith.cmpi slt, %add3A_113, %lt3A : i32
      %convert_element_type3A = arith.extui %lt3A_114 : i1 to i32
      %cond3A = arith.constant 0 : i32
      %cond3A_115 = arith.cmpi ne, %convert_element_type3A, %cond3A : i32
      scf.if %cond3A_115 {
        %mul3A_116 = arith.constant 40 : i32
        %mul3A_117 = arith.muli %add3A_113, %mul3A_116 : i32
        "tpu.region"() ({
          %run_scoped3A = tpu.sem_alloc : memref<!tpu.dma_semaphore, #tpu.memory_space<semaphore_mem>>
          %dma_start3A_118 = arith.constant 0 : i32
          %dma_start3A_119 = tpu.memref_slice %arg21[%mul3A_117, %dma_start3A_118] : memref<10000x128xf32, #tpu.memory_space<vmem_shared>> -> memref<40x128xf32, #tpu.memory_space<vmem_shared>>
          %dma_start3A_120 = arith.constant 0 : i32
          %dma_start3A_121 = tpu.memref_slice %arg21[%mul3A_117, %dma_start3A_120] : memref<10000x128xf32, #tpu.memory_space<vmem_shared>> -> memref<40x128xf32, #tpu.memory_space<vmem_shared>>
          tpu.enqueue_dma source(%arg20 : memref<40x128xf32, #tpu.memory_space<vmem>>) target(%dma_start3A_121 : memref<40x128xf32, #tpu.memory_space<vmem_shared>>) target_semaphore(%run_scoped3A : memref<!tpu.dma_semaphore, #tpu.memory_space<semaphore_mem>>)
          %dma_wait3A_122 = arith.constant 0 : i32
          %dma_wait3A_123 = tpu.memref_slice %arg21[%mul3A_117, %dma_wait3A_122] : memref<10000x128xf32, #tpu.memory_space<vmem_shared>> -> memref<40x128xf32, #tpu.memory_space<vmem_shared>>
          %dma_wait3A_124 = arith.constant 0 : i32
          %dma_wait3A_125 = tpu.memref_slice %arg21[%mul3A_117, %dma_wait3A_124] : memref<10000x128xf32, #tpu.memory_space<vmem_shared>> -> memref<40x128xf32, #tpu.memory_space<vmem_shared>>
          tpu.wait_dma2 semaphore(%run_scoped3A : memref<!tpu.dma_semaphore, #tpu.memory_space<semaphore_mem>>) src(%arg20 : memref<40x128xf32, #tpu.memory_space<vmem>>) dst(%dma_wait3A_125 : memref<40x128xf32, #tpu.memory_space<vmem_shared>>)
          tpu.yield
        }) : () -> ()
      } else {
      }
    }
    %scan3A_67 = arith.constant 16 : i32
    %add3A_68 = arith.constant 240 : i32
    %add3A_69 = arith.addi %add3A, %add3A_68 : i32
    %dma_start3A_70 = tpu.memref_slice %arg4[%add3A_69] : memref<320000xi32, #tpu.memory_space<hbm>> -> memref<40xi32, #tpu.memory_space<hbm>>
    %dma_start3A_71 = tpu.memref_slice %arg4[%add3A_69] : memref<320000xi32, #tpu.memory_space<hbm>> -> memref<40xi32, #tpu.memory_space<hbm>>
    tpu.enqueue_dma source(%dma_start3A_71 : memref<40xi32, #tpu.memory_space<hbm>>) target(%arg13 : memref<40xi32, #tpu.memory_space<vmem>>) target_semaphore(%arg42 : memref<!tpu.dma_semaphore, #tpu.memory_space<semaphore_mem>>)
    %dma_start3A_72 = arith.constant 240 : i32
    %dma_start3A_73 = tpu.memref_slice %arg6[%dma_start3A_72] : memref<10000xi32, #tpu.memory_space<vmem>> -> memref<40xi32, #tpu.memory_space<vmem>>
    %dma_start3A_74 = arith.constant 0 : i32
    %dma_start3A_75 = arith.constant 0 : i32
    %dma_start3A_76 = tpu.memref_slice %arg2[%dma_start3A_74, %dma_start3A_75] : memref<10000x128xf32, #tpu.memory_space<hbm>> -> memref<10000x128xf32, #tpu.memory_space<hbm>>
    tpu.enqueue_indirect_dma source(%dma_start3A_76 : memref<10000x128xf32, #tpu.memory_space<hbm>>) target(%arg20 : memref<40x128xf32, #tpu.memory_space<vmem>>) offsets(%dma_start3A_73 : memref<40xi32, #tpu.memory_space<vmem>>) semaphore(%arg28 : memref<!tpu.dma_semaphore, #tpu.memory_space<semaphore_mem>>)
    %barrier3A = arith.constant 0 : index
    tpu.barrier barrier_id(%barrier3A)
    %scan3A_77 = arith.constant 0 : i32
    %scan3A_78 = arith.constant 0 : i32
    %scan3A_79 = arith.constant 36 : i32
    %scan3A_80 = arith.addi %scan3A_78, %scan3A_79 : i32
    %scan3A_81 = arith.constant 1 : i32
    scf.for %scan3A_110 = %scan3A_78 to %scan3A_80 step %scan3A_81  : i32 {
      %mul3A_111 = arith.constant 7 : i32
      %mul3A_112 = arith.muli %mul3A_111, %scan3A_110 : i32
      %add3A_113 = arith.constant 0 : i32
      %add3A_114 = arith.addi %mul3A_112, %add3A_113 : i32
      %lt3A = arith.constant 250 : i32
      %lt3A_115 = arith.cmpi slt, %add3A_114, %lt3A : i32
      %convert_element_type3A = arith.extui %lt3A_115 : i1 to i32
      %cond3A = arith.constant 0 : i32
      %cond3A_116 = arith.cmpi ne, %convert_element_type3A, %cond3A : i32
      scf.if %cond3A_116 {
        %dma_wait3A_248 = tpu.memref_slice %arg4[%add3A] : memref<320000xi32, #tpu.memory_space<hbm>> -> memref<40xi32, #tpu.memory_space<hbm>>
        %dma_wait3A_249 = tpu.memref_slice %arg4[%add3A] : memref<320000xi32, #tpu.memory_space<hbm>> -> memref<40xi32, #tpu.memory_space<hbm>>
        tpu.wait_dma2 semaphore(%arg36 : memref<!tpu.dma_semaphore, #tpu.memory_space<semaphore_mem>>) src(%dma_wait3A_249 : memref<40xi32, #tpu.memory_space<hbm>>) dst(%arg7 : memref<40xi32, #tpu.memory_space<vmem>>)
        %dma_wait3A_250 = arith.constant 0 : i32
        %dma_wait3A_251 = tpu.memref_slice %arg6[%dma_wait3A_250] : memref<10000xi32, #tpu.memory_space<vmem>> -> memref<40xi32, #tpu.memory_space<vmem>>
        %dma_wait3A_252 = arith.constant 0 : i32
        %dma_wait3A_253 = arith.constant 0 : i32
        %dma_wait3A_254 = tpu.memref_slice %arg2[%dma_wait3A_252, %dma_wait3A_253] : memref<10000x128xf32, #tpu.memory_space<hbm>> -> memref<10000x128xf32, #tpu.memory_space<hbm>>
        tpu.wait_indirect_dma semaphore(%arg22 : memref<!tpu.dma_semaphore, #tpu.memory_space<semaphore_mem>>) src(%dma_wait3A_254 : memref<10000x128xf32, #tpu.memory_space<hbm>>) dst(%arg14 : memref<40x128xf32, #tpu.memory_space<vmem>>)
        %dma_start3A_255 = arith.constant 0 : i32
        %dma_start3A_256 = arith.constant 0 : i32
        %dma_start3A_257 = tpu.memref_slice %arg21[%dma_start3A_255, %dma_start3A_256] : memref<10000x128xf32, #tpu.memory_space<vmem_shared>> -> memref<10000x128xf32, #tpu.memory_space<vmem_shared>>
        tpu.enqueue_indirect_dma source(%arg14 : memref<40x128xf32, #tpu.memory_space<vmem>>) target(%dma_start3A_257 : memref<10000x128xf32, #tpu.memory_space<vmem_shared>>) offsets(%arg7 : memref<40xi32, #tpu.memory_space<vmem>>) semaphore(%arg29 : memref<!tpu.dma_semaphore, #tpu.memory_space<semaphore_mem>>) {add = true}
      } else {
      }
      %mul3A_117 = arith.constant 7 : i32
      %mul3A_118 = arith.muli %mul3A_117, %scan3A_110 : i32
      %add3A_119 = arith.constant 1 : i32
      %add3A_120 = arith.addi %mul3A_118, %add3A_119 : i32
      %lt3A_121 = arith.constant 250 : i32
      %lt3A_122 = arith.cmpi slt, %add3A_120, %lt3A_121 : i32
      %convert_element_type3A_123 = arith.extui %lt3A_122 : i1 to i32
      %cond3A_124 = arith.constant 0 : i32
      %cond3A_125 = arith.cmpi ne, %convert_element_type3A_123, %cond3A_124 : i32
      scf.if %cond3A_125 {
        %dma_wait3A_248 = tpu.memref_slice %arg4[%add3A] : memref<320000xi32, #tpu.memory_space<hbm>> -> memref<40xi32, #tpu.memory_space<hbm>>
        %dma_wait3A_249 = tpu.memref_slice %arg4[%add3A] : memref<320000xi32, #tpu.memory_space<hbm>> -> memref<40xi32, #tpu.memory_space<hbm>>
        tpu.wait_dma2 semaphore(%arg37 : memref<!tpu.dma_semaphore, #tpu.memory_space<semaphore_mem>>) src(%dma_wait3A_249 : memref<40xi32, #tpu.memory_space<hbm>>) dst(%arg8 : memref<40xi32, #tpu.memory_space<vmem>>)
        %dma_wait3A_250 = arith.constant 0 : i32
        %dma_wait3A_251 = tpu.memref_slice %arg6[%dma_wait3A_250] : memref<10000xi32, #tpu.memory_space<vmem>> -> memref<40xi32, #tpu.memory_space<vmem>>
        %dma_wait3A_252 = arith.constant 0 : i32
        %dma_wait3A_253 = arith.constant 0 : i32
        %dma_wait3A_254 = tpu.memref_slice %arg2[%dma_wait3A_252, %dma_wait3A_253] : memref<10000x128xf32, #tpu.memory_space<hbm>> -> memref<10000x128xf32, #tpu.memory_space<hbm>>
        tpu.wait_indirect_dma semaphore(%arg23 : memref<!tpu.dma_semaphore, #tpu.memory_space<semaphore_mem>>) src(%dma_wait3A_254 : memref<10000x128xf32, #tpu.memory_space<hbm>>) dst(%arg15 : memref<40x128xf32, #tpu.memory_space<vmem>>)
        %dma_start3A_255 = arith.constant 0 : i32
        %dma_start3A_256 = arith.constant 0 : i32
        %dma_start3A_257 = tpu.memref_slice %arg21[%dma_start3A_255, %dma_start3A_256] : memref<10000x128xf32, #tpu.memory_space<vmem_shared>> -> memref<10000x128xf32, #tpu.memory_space<vmem_shared>>
        tpu.enqueue_indirect_dma source(%arg15 : memref<40x128xf32, #tpu.memory_space<vmem>>) target(%dma_start3A_257 : memref<10000x128xf32, #tpu.memory_space<vmem_shared>>) offsets(%arg8 : memref<40xi32, #tpu.memory_space<vmem>>) semaphore(%arg30 : memref<!tpu.dma_semaphore, #tpu.memory_space<semaphore_mem>>) {add = true}
      } else {
      }
      %mul3A_126 = arith.constant 7 : i32
      %mul3A_127 = arith.muli %mul3A_126, %scan3A_110 : i32
      %add3A_128 = arith.constant 2 : i32
      %add3A_129 = arith.addi %mul3A_127, %add3A_128 : i32
      %lt3A_130 = arith.constant 250 : i32
      %lt3A_131 = arith.cmpi slt, %add3A_129, %lt3A_130 : i32
      %convert_element_type3A_132 = arith.extui %lt3A_131 : i1 to i32
      %cond3A_133 = arith.constant 0 : i32
      %cond3A_134 = arith.cmpi ne, %convert_element_type3A_132, %cond3A_133 : i32
      scf.if %cond3A_134 {
        %dma_wait3A_248 = tpu.memref_slice %arg4[%add3A] : memref<320000xi32, #tpu.memory_space<hbm>> -> memref<40xi32, #tpu.memory_space<hbm>>
        %dma_wait3A_249 = tpu.memref_slice %arg4[%add3A] : memref<320000xi32, #tpu.memory_space<hbm>> -> memref<40xi32, #tpu.memory_space<hbm>>
        tpu.wait_dma2 semaphore(%arg38 : memref<!tpu.dma_semaphore, #tpu.memory_space<semaphore_mem>>) src(%dma_wait3A_249 : memref<40xi32, #tpu.memory_space<hbm>>) dst(%arg9 : memref<40xi32, #tpu.memory_space<vmem>>)
        %dma_wait3A_250 = arith.constant 0 : i32
        %dma_wait3A_251 = tpu.memref_slice %arg6[%dma_wait3A_250] : memref<10000xi32, #tpu.memory_space<vmem>> -> memref<40xi32, #tpu.memory_space<vmem>>
        %dma_wait3A_252 = arith.constant 0 : i32
        %dma_wait3A_253 = arith.constant 0 : i32
        %dma_wait3A_254 = tpu.memref_slice %arg2[%dma_wait3A_252, %dma_wait3A_253] : memref<10000x128xf32, #tpu.memory_space<hbm>> -> memref<10000x128xf32, #tpu.memory_space<hbm>>
        tpu.wait_indirect_dma semaphore(%arg24 : memref<!tpu.dma_semaphore, #tpu.memory_space<semaphore_mem>>) src(%dma_wait3A_254 : memref<10000x128xf32, #tpu.memory_space<hbm>>) dst(%arg16 : memref<40x128xf32, #tpu.memory_space<vmem>>)
        %dma_start3A_255 = arith.constant 0 : i32
        %dma_start3A_256 = arith.constant 0 : i32
        %dma_start3A_257 = tpu.memref_slice %arg21[%dma_start3A_255, %dma_start3A_256] : memref<10000x128xf32, #tpu.memory_space<vmem_shared>> -> memref<10000x128xf32, #tpu.memory_space<vmem_shared>>
        tpu.enqueue_indirect_dma source(%arg16 : memref<40x128xf32, #tpu.memory_space<vmem>>) target(%dma_start3A_257 : memref<10000x128xf32, #tpu.memory_space<vmem_shared>>) offsets(%arg9 : memref<40xi32, #tpu.memory_space<vmem>>) semaphore(%arg31 : memref<!tpu.dma_semaphore, #tpu.memory_space<semaphore_mem>>) {add = true}
      } else {
      }
      %mul3A_135 = arith.constant 7 : i32
      %mul3A_136 = arith.muli %mul3A_135, %scan3A_110 : i32
      %add3A_137 = arith.constant 3 : i32
      %add3A_138 = arith.addi %mul3A_136, %add3A_137 : i32
      %lt3A_139 = arith.constant 250 : i32
      %lt3A_140 = arith.cmpi slt, %add3A_138, %lt3A_139 : i32
      %convert_element_type3A_141 = arith.extui %lt3A_140 : i1 to i32
      %cond3A_142 = arith.constant 0 : i32
      %cond3A_143 = arith.cmpi ne, %convert_element_type3A_141, %cond3A_142 : i32
      scf.if %cond3A_143 {
        %dma_wait3A_248 = tpu.memref_slice %arg4[%add3A] : memref<320000xi32, #tpu.memory_space<hbm>> -> memref<40xi32, #tpu.memory_space<hbm>>
        %dma_wait3A_249 = tpu.memref_slice %arg4[%add3A] : memref<320000xi32, #tpu.memory_space<hbm>> -> memref<40xi32, #tpu.memory_space<hbm>>
        tpu.wait_dma2 semaphore(%arg39 : memref<!tpu.dma_semaphore, #tpu.memory_space<semaphore_mem>>) src(%dma_wait3A_249 : memref<40xi32, #tpu.memory_space<hbm>>) dst(%arg10 : memref<40xi32, #tpu.memory_space<vmem>>)
        %dma_wait3A_250 = arith.constant 0 : i32
        %dma_wait3A_251 = tpu.memref_slice %arg6[%dma_wait3A_250] : memref<10000xi32, #tpu.memory_space<vmem>> -> memref<40xi32, #tpu.memory_space<vmem>>
        %dma_wait3A_252 = arith.constant 0 : i32
        %dma_wait3A_253 = arith.constant 0 : i32
        %dma_wait3A_254 = tpu.memref_slice %arg2[%dma_wait3A_252, %dma_wait3A_253] : memref<10000x128xf32, #tpu.memory_space<hbm>> -> memref<10000x128xf32, #tpu.memory_space<hbm>>
        tpu.wait_indirect_dma semaphore(%arg25 : memref<!tpu.dma_semaphore, #tpu.memory_space<semaphore_mem>>) src(%dma_wait3A_254 : memref<10000x128xf32, #tpu.memory_space<hbm>>) dst(%arg17 : memref<40x128xf32, #tpu.memory_space<vmem>>)
        %dma_start3A_255 = arith.constant 0 : i32
        %dma_start3A_256 = arith.constant 0 : i32
        %dma_start3A_257 = tpu.memref_slice %arg21[%dma_start3A_255, %dma_start3A_256] : memref<10000x128xf32, #tpu.memory_space<vmem_shared>> -> memref<10000x128xf32, #tpu.memory_space<vmem_shared>>
        tpu.enqueue_indirect_dma source(%arg17 : memref<40x128xf32, #tpu.memory_space<vmem>>) target(%dma_start3A_257 : memref<10000x128xf32, #tpu.memory_space<vmem_shared>>) offsets(%arg10 : memref<40xi32, #tpu.memory_space<vmem>>) semaphore(%arg32 : memref<!tpu.dma_semaphore, #tpu.memory_space<semaphore_mem>>) {add = true}
      } else {
      }
      %mul3A_144 = arith.constant 7 : i32
      %mul3A_145 = arith.muli %mul3A_144, %scan3A_110 : i32
      %add3A_146 = arith.constant 4 : i32
      %add3A_147 = arith.addi %mul3A_145, %add3A_146 : i32
      %lt3A_148 = arith.constant 250 : i32
      %lt3A_149 = arith.cmpi slt, %add3A_147, %lt3A_148 : i32
      %convert_element_type3A_150 = arith.extui %lt3A_149 : i1 to i32
      %cond3A_151 = arith.constant 0 : i32
      %cond3A_152 = arith.cmpi ne, %convert_element_type3A_150, %cond3A_151 : i32
      scf.if %cond3A_152 {
        %dma_wait3A_248 = tpu.memref_slice %arg4[%add3A] : memref<320000xi32, #tpu.memory_space<hbm>> -> memref<40xi32, #tpu.memory_space<hbm>>
        %dma_wait3A_249 = tpu.memref_slice %arg4[%add3A] : memref<320000xi32, #tpu.memory_space<hbm>> -> memref<40xi32, #tpu.memory_space<hbm>>
        tpu.wait_dma2 semaphore(%arg40 : memref<!tpu.dma_semaphore, #tpu.memory_space<semaphore_mem>>) src(%dma_wait3A_249 : memref<40xi32, #tpu.memory_space<hbm>>) dst(%arg11 : memref<40xi32, #tpu.memory_space<vmem>>)
        %dma_wait3A_250 = arith.constant 0 : i32
        %dma_wait3A_251 = tpu.memref_slice %arg6[%dma_wait3A_250] : memref<10000xi32, #tpu.memory_space<vmem>> -> memref<40xi32, #tpu.memory_space<vmem>>
        %dma_wait3A_252 = arith.constant 0 : i32
        %dma_wait3A_253 = arith.constant 0 : i32
        %dma_wait3A_254 = tpu.memref_slice %arg2[%dma_wait3A_252, %dma_wait3A_253] : memref<10000x128xf32, #tpu.memory_space<hbm>> -> memref<10000x128xf32, #tpu.memory_space<hbm>>
        tpu.wait_indirect_dma semaphore(%arg26 : memref<!tpu.dma_semaphore, #tpu.memory_space<semaphore_mem>>) src(%dma_wait3A_254 : memref<10000x128xf32, #tpu.memory_space<hbm>>) dst(%arg18 : memref<40x128xf32, #tpu.memory_space<vmem>>)
        %dma_start3A_255 = arith.constant 0 : i32
        %dma_start3A_256 = arith.constant 0 : i32
        %dma_start3A_257 = tpu.memref_slice %arg21[%dma_start3A_255, %dma_start3A_256] : memref<10000x128xf32, #tpu.memory_space<vmem_shared>> -> memref<10000x128xf32, #tpu.memory_space<vmem_shared>>
        tpu.enqueue_indirect_dma source(%arg18 : memref<40x128xf32, #tpu.memory_space<vmem>>) target(%dma_start3A_257 : memref<10000x128xf32, #tpu.memory_space<vmem_shared>>) offsets(%arg11 : memref<40xi32, #tpu.memory_space<vmem>>) semaphore(%arg33 : memref<!tpu.dma_semaphore, #tpu.memory_space<semaphore_mem>>) {add = true}
      } else {
      }
      %mul3A_153 = arith.constant 7 : i32
      %mul3A_154 = arith.muli %mul3A_153, %scan3A_110 : i32
      %add3A_155 = arith.constant 5 : i32
      %add3A_156 = arith.addi %mul3A_154, %add3A_155 : i32
      %lt3A_157 = arith.constant 250 : i32
      %lt3A_158 = arith.cmpi slt, %add3A_156, %lt3A_157 : i32
      %convert_element_type3A_159 = arith.extui %lt3A_158 : i1 to i32
      %cond3A_160 = arith.constant 0 : i32
      %cond3A_161 = arith.cmpi ne, %convert_element_type3A_159, %cond3A_160 : i32
      scf.if %cond3A_161 {
        %dma_wait3A_248 = tpu.memref_slice %arg4[%add3A] : memref<320000xi32, #tpu.memory_space<hbm>> -> memref<40xi32, #tpu.memory_space<hbm>>
        %dma_wait3A_249 = tpu.memref_slice %arg4[%add3A] : memref<320000xi32, #tpu.memory_space<hbm>> -> memref<40xi32, #tpu.memory_space<hbm>>
        tpu.wait_dma2 semaphore(%arg41 : memref<!tpu.dma_semaphore, #tpu.memory_space<semaphore_mem>>) src(%dma_wait3A_249 : memref<40xi32, #tpu.memory_space<hbm>>) dst(%arg12 : memref<40xi32, #tpu.memory_space<vmem>>)
        %dma_wait3A_250 = arith.constant 0 : i32
        %dma_wait3A_251 = tpu.memref_slice %arg6[%dma_wait3A_250] : memref<10000xi32, #tpu.memory_space<vmem>> -> memref<40xi32, #tpu.memory_space<vmem>>
        %dma_wait3A_252 = arith.constant 0 : i32
        %dma_wait3A_253 = arith.constant 0 : i32
        %dma_wait3A_254 = tpu.memref_slice %arg2[%dma_wait3A_252, %dma_wait3A_253] : memref<10000x128xf32, #tpu.memory_space<hbm>> -> memref<10000x128xf32, #tpu.memory_space<hbm>>
        tpu.wait_indirect_dma semaphore(%arg27 : memref<!tpu.dma_semaphore, #tpu.memory_space<semaphore_mem>>) src(%dma_wait3A_254 : memref<10000x128xf32, #tpu.memory_space<hbm>>) dst(%arg19 : memref<40x128xf32, #tpu.memory_space<vmem>>)
        %dma_start3A_255 = arith.constant 0 : i32
        %dma_start3A_256 = arith.constant 0 : i32
        %dma_start3A_257 = tpu.memref_slice %arg21[%dma_start3A_255, %dma_start3A_256] : memref<10000x128xf32, #tpu.memory_space<vmem_shared>> -> memref<10000x128xf32, #tpu.memory_space<vmem_shared>>
        tpu.enqueue_indirect_dma source(%arg19 : memref<40x128xf32, #tpu.memory_space<vmem>>) target(%dma_start3A_257 : memref<10000x128xf32, #tpu.memory_space<vmem_shared>>) offsets(%arg12 : memref<40xi32, #tpu.memory_space<vmem>>) semaphore(%arg34 : memref<!tpu.dma_semaphore, #tpu.memory_space<semaphore_mem>>) {add = true}
      } else {
      }
      %mul3A_162 = arith.constant 7 : i32
      %mul3A_163 = arith.muli %mul3A_162, %scan3A_110 : i32
      %add3A_164 = arith.constant 6 : i32
      %add3A_165 = arith.addi %mul3A_163, %add3A_164 : i32
      %lt3A_166 = arith.constant 250 : i32
      %lt3A_167 = arith.cmpi slt, %add3A_165, %lt3A_166 : i32
      %convert_element_type3A_168 = arith.extui %lt3A_167 : i1 to i32
      %cond3A_169 = arith.constant 0 : i32
      %cond3A_170 = arith.cmpi ne, %convert_element_type3A_168, %cond3A_169 : i32
      scf.if %cond3A_170 {
        %dma_wait3A_248 = tpu.memref_slice %arg4[%add3A] : memref<320000xi32, #tpu.memory_space<hbm>> -> memref<40xi32, #tpu.memory_space<hbm>>
        %dma_wait3A_249 = tpu.memref_slice %arg4[%add3A] : memref<320000xi32, #tpu.memory_space<hbm>> -> memref<40xi32, #tpu.memory_space<hbm>>
        tpu.wait_dma2 semaphore(%arg42 : memref<!tpu.dma_semaphore, #tpu.memory_space<semaphore_mem>>) src(%dma_wait3A_249 : memref<40xi32, #tpu.memory_space<hbm>>) dst(%arg13 : memref<40xi32, #tpu.memory_space<vmem>>)
        %dma_wait3A_250 = arith.constant 0 : i32
        %dma_wait3A_251 = tpu.memref_slice %arg6[%dma_wait3A_250] : memref<10000xi32, #tpu.memory_space<vmem>> -> memref<40xi32, #tpu.memory_space<vmem>>
        %dma_wait3A_252 = arith.constant 0 : i32
        %dma_wait3A_253 = arith.constant 0 : i32
        %dma_wait3A_254 = tpu.memref_slice %arg2[%dma_wait3A_252, %dma_wait3A_253] : memref<10000x128xf32, #tpu.memory_space<hbm>> -> memref<10000x128xf32, #tpu.memory_space<hbm>>
        tpu.wait_indirect_dma semaphore(%arg28 : memref<!tpu.dma_semaphore, #tpu.memory_space<semaphore_mem>>) src(%dma_wait3A_254 : memref<10000x128xf32, #tpu.memory_space<hbm>>) dst(%arg20 : memref<40x128xf32, #tpu.memory_space<vmem>>)
        %dma_start3A_255 = arith.constant 0 : i32
        %dma_start3A_256 = arith.constant 0 : i32
        %dma_start3A_257 = tpu.memref_slice %arg21[%dma_start3A_255, %dma_start3A_256] : memref<10000x128xf32, #tpu.memory_space<vmem_shared>> -> memref<10000x128xf32, #tpu.memory_space<vmem_shared>>
        tpu.enqueue_indirect_dma source(%arg20 : memref<40x128xf32, #tpu.memory_space<vmem>>) target(%dma_start3A_257 : memref<10000x128xf32, #tpu.memory_space<vmem_shared>>) offsets(%arg13 : memref<40xi32, #tpu.memory_space<vmem>>) semaphore(%arg35 : memref<!tpu.dma_semaphore, #tpu.memory_space<semaphore_mem>>) {add = true}
      } else {
      }
      %mul3A_171 = arith.constant 7 : i32
      %mul3A_172 = arith.muli %mul3A_171, %scan3A_110 : i32
      %add3A_173 = arith.constant 0 : i32
      %add3A_174 = arith.addi %mul3A_172, %add3A_173 : i32
      %add3A_175 = arith.constant 7 : i32
      %add3A_176 = arith.addi %add3A_174, %add3A_175 : i32
      %lt3A_177 = arith.constant 250 : i32
      %lt3A_178 = arith.cmpi slt, %add3A_176, %lt3A_177 : i32
      %convert_element_type3A_179 = arith.extui %lt3A_178 : i1 to i32
      %cond3A_180 = arith.constant 0 : i32
      %cond3A_181 = arith.cmpi ne, %convert_element_type3A_179, %cond3A_180 : i32
      scf.if %cond3A_181 {
        %dma_wait3A_248 = arith.constant 0 : i32
        %dma_wait3A_249 = arith.constant 0 : i32
        %dma_wait3A_250 = tpu.memref_slice %arg21[%dma_wait3A_248, %dma_wait3A_249] : memref<10000x128xf32, #tpu.memory_space<vmem_shared>> -> memref<10000x128xf32, #tpu.memory_space<vmem_shared>>
        tpu.wait_indirect_dma semaphore(%arg29 : memref<!tpu.dma_semaphore, #tpu.memory_space<semaphore_mem>>) src(%arg14 : memref<40x128xf32, #tpu.memory_space<vmem>>) dst(%dma_wait3A_250 : memref<10000x128xf32, #tpu.memory_space<vmem_shared>>)
        %add3A_251 = arith.constant 7 : i32
        %add3A_252 = arith.addi %add3A_174, %add3A_251 : i32
        %mul3A_253 = arith.constant 40 : i32
        %mul3A_254 = arith.muli %add3A_252, %mul3A_253 : i32
        %add3A_255 = arith.addi %add3A, %mul3A_254 : i32
        %dma_start3A_256 = tpu.memref_slice %arg4[%add3A_255] : memref<320000xi32, #tpu.memory_space<hbm>> -> memref<40xi32, #tpu.memory_space<hbm>>
        %dma_start3A_257 = tpu.memref_slice %arg4[%add3A_255] : memref<320000xi32, #tpu.memory_space<hbm>> -> memref<40xi32, #tpu.memory_space<hbm>>
        tpu.enqueue_dma source(%dma_start3A_257 : memref<40xi32, #tpu.memory_space<hbm>>) target(%arg7 : memref<40xi32, #tpu.memory_space<vmem>>) target_semaphore(%arg36 : memref<!tpu.dma_semaphore, #tpu.memory_space<semaphore_mem>>)
        %mul3A_258 = arith.constant 40 : i32
        %mul3A_259 = arith.muli %add3A_252, %mul3A_258 : i32
        %dma_start3A_260 = tpu.memref_slice %arg6[%mul3A_259] : memref<10000xi32, #tpu.memory_space<vmem>> -> memref<40xi32, #tpu.memory_space<vmem>>
        %dma_start3A_261 = arith.constant 0 : i32
        %dma_start3A_262 = arith.constant 0 : i32
        %dma_start3A_263 = tpu.memref_slice %arg2[%dma_start3A_261, %dma_start3A_262] : memref<10000x128xf32, #tpu.memory_space<hbm>> -> memref<10000x128xf32, #tpu.memory_space<hbm>>
        tpu.enqueue_indirect_dma source(%dma_start3A_263 : memref<10000x128xf32, #tpu.memory_space<hbm>>) target(%arg14 : memref<40x128xf32, #tpu.memory_space<vmem>>) offsets(%dma_start3A_260 : memref<40xi32, #tpu.memory_space<vmem>>) semaphore(%arg22 : memref<!tpu.dma_semaphore, #tpu.memory_space<semaphore_mem>>)
      } else {
      }
      %mul3A_182 = arith.constant 7 : i32
      %mul3A_183 = arith.muli %mul3A_182, %scan3A_110 : i32
      %add3A_184 = arith.constant 1 : i32
      %add3A_185 = arith.addi %mul3A_183, %add3A_184 : i32
      %add3A_186 = arith.constant 7 : i32
      %add3A_187 = arith.addi %add3A_185, %add3A_186 : i32
      %lt3A_188 = arith.constant 250 : i32
      %lt3A_189 = arith.cmpi slt, %add3A_187, %lt3A_188 : i32
      %convert_element_type3A_190 = arith.extui %lt3A_189 : i1 to i32
      %cond3A_191 = arith.constant 0 : i32
      %cond3A_192 = arith.cmpi ne, %convert_element_type3A_190, %cond3A_191 : i32
      scf.if %cond3A_192 {
        %dma_wait3A_248 = arith.constant 0 : i32
        %dma_wait3A_249 = arith.constant 0 : i32
        %dma_wait3A_250 = tpu.memref_slice %arg21[%dma_wait3A_248, %dma_wait3A_249] : memref<10000x128xf32, #tpu.memory_space<vmem_shared>> -> memref<10000x128xf32, #tpu.memory_space<vmem_shared>>
        tpu.wait_indirect_dma semaphore(%arg30 : memref<!tpu.dma_semaphore, #tpu.memory_space<semaphore_mem>>) src(%arg15 : memref<40x128xf32, #tpu.memory_space<vmem>>) dst(%dma_wait3A_250 : memref<10000x128xf32, #tpu.memory_space<vmem_shared>>)
        %add3A_251 = arith.constant 7 : i32
        %add3A_252 = arith.addi %add3A_185, %add3A_251 : i32
        %mul3A_253 = arith.constant 40 : i32
        %mul3A_254 = arith.muli %add3A_252, %mul3A_253 : i32
        %add3A_255 = arith.addi %add3A, %mul3A_254 : i32
        %dma_start3A_256 = tpu.memref_slice %arg4[%add3A_255] : memref<320000xi32, #tpu.memory_space<hbm>> -> memref<40xi32, #tpu.memory_space<hbm>>
        %dma_start3A_257 = tpu.memref_slice %arg4[%add3A_255] : memref<320000xi32, #tpu.memory_space<hbm>> -> memref<40xi32, #tpu.memory_space<hbm>>
        tpu.enqueue_dma source(%dma_start3A_257 : memref<40xi32, #tpu.memory_space<hbm>>) target(%arg8 : memref<40xi32, #tpu.memory_space<vmem>>) target_semaphore(%arg37 : memref<!tpu.dma_semaphore, #tpu.memory_space<semaphore_mem>>)
        %mul3A_258 = arith.constant 40 : i32
        %mul3A_259 = arith.muli %add3A_252, %mul3A_258 : i32
        %dma_start3A_260 = tpu.memref_slice %arg6[%mul3A_259] : memref<10000xi32, #tpu.memory_space<vmem>> -> memref<40xi32, #tpu.memory_space<vmem>>
        %dma_start3A_261 = arith.constant 0 : i32
        %dma_start3A_262 = arith.constant 0 : i32
        %dma_start3A_263 = tpu.memref_slice %arg2[%dma_start3A_261, %dma_start3A_262] : memref<10000x128xf32, #tpu.memory_space<hbm>> -> memref<10000x128xf32, #tpu.memory_space<hbm>>
        tpu.enqueue_indirect_dma source(%dma_start3A_263 : memref<10000x128xf32, #tpu.memory_space<hbm>>) target(%arg15 : memref<40x128xf32, #tpu.memory_space<vmem>>) offsets(%dma_start3A_260 : memref<40xi32, #tpu.memory_space<vmem>>) semaphore(%arg23 : memref<!tpu.dma_semaphore, #tpu.memory_space<semaphore_mem>>)
      } else {
      }
      %mul3A_193 = arith.constant 7 : i32
      %mul3A_194 = arith.muli %mul3A_193, %scan3A_110 : i32
      %add3A_195 = arith.constant 2 : i32
      %add3A_196 = arith.addi %mul3A_194, %add3A_195 : i32
      %add3A_197 = arith.constant 7 : i32
      %add3A_198 = arith.addi %add3A_196, %add3A_197 : i32
      %lt3A_199 = arith.constant 250 : i32
      %lt3A_200 = arith.cmpi slt, %add3A_198, %lt3A_199 : i32
      %convert_element_type3A_201 = arith.extui %lt3A_200 : i1 to i32
      %cond3A_202 = arith.constant 0 : i32
      %cond3A_203 = arith.cmpi ne, %convert_element_type3A_201, %cond3A_202 : i32
      scf.if %cond3A_203 {
        %dma_wait3A_248 = arith.constant 0 : i32
        %dma_wait3A_249 = arith.constant 0 : i32
        %dma_wait3A_250 = tpu.memref_slice %arg21[%dma_wait3A_248, %dma_wait3A_249] : memref<10000x128xf32, #tpu.memory_space<vmem_shared>> -> memref<10000x128xf32, #tpu.memory_space<vmem_shared>>
        tpu.wait_indirect_dma semaphore(%arg31 : memref<!tpu.dma_semaphore, #tpu.memory_space<semaphore_mem>>) src(%arg16 : memref<40x128xf32, #tpu.memory_space<vmem>>) dst(%dma_wait3A_250 : memref<10000x128xf32, #tpu.memory_space<vmem_shared>>)
        %add3A_251 = arith.constant 7 : i32
        %add3A_252 = arith.addi %add3A_196, %add3A_251 : i32
        %mul3A_253 = arith.constant 40 : i32
        %mul3A_254 = arith.muli %add3A_252, %mul3A_253 : i32
        %add3A_255 = arith.addi %add3A, %mul3A_254 : i32
        %dma_start3A_256 = tpu.memref_slice %arg4[%add3A_255] : memref<320000xi32, #tpu.memory_space<hbm>> -> memref<40xi32, #tpu.memory_space<hbm>>
        %dma_start3A_257 = tpu.memref_slice %arg4[%add3A_255] : memref<320000xi32, #tpu.memory_space<hbm>> -> memref<40xi32, #tpu.memory_space<hbm>>
        tpu.enqueue_dma source(%dma_start3A_257 : memref<40xi32, #tpu.memory_space<hbm>>) target(%arg9 : memref<40xi32, #tpu.memory_space<vmem>>) target_semaphore(%arg38 : memref<!tpu.dma_semaphore, #tpu.memory_space<semaphore_mem>>)
        %mul3A_258 = arith.constant 40 : i32
        %mul3A_259 = arith.muli %add3A_252, %mul3A_258 : i32
        %dma_start3A_260 = tpu.memref_slice %arg6[%mul3A_259] : memref<10000xi32, #tpu.memory_space<vmem>> -> memref<40xi32, #tpu.memory_space<vmem>>
        %dma_start3A_261 = arith.constant 0 : i32
        %dma_start3A_262 = arith.constant 0 : i32
        %dma_start3A_263 = tpu.memref_slice %arg2[%dma_start3A_261, %dma_start3A_262] : memref<10000x128xf32, #tpu.memory_space<hbm>> -> memref<10000x128xf32, #tpu.memory_space<hbm>>
        tpu.enqueue_indirect_dma source(%dma_start3A_263 : memref<10000x128xf32, #tpu.memory_space<hbm>>) target(%arg16 : memref<40x128xf32, #tpu.memory_space<vmem>>) offsets(%dma_start3A_260 : memref<40xi32, #tpu.memory_space<vmem>>) semaphore(%arg24 : memref<!tpu.dma_semaphore, #tpu.memory_space<semaphore_mem>>)
      } else {
      }
      %mul3A_204 = arith.constant 7 : i32
      %mul3A_205 = arith.muli %mul3A_204, %scan3A_110 : i32
      %add3A_206 = arith.constant 3 : i32
      %add3A_207 = arith.addi %mul3A_205, %add3A_206 : i32
      %add3A_208 = arith.constant 7 : i32
      %add3A_209 = arith.addi %add3A_207, %add3A_208 : i32
      %lt3A_210 = arith.constant 250 : i32
      %lt3A_211 = arith.cmpi slt, %add3A_209, %lt3A_210 : i32
      %convert_element_type3A_212 = arith.extui %lt3A_211 : i1 to i32
      %cond3A_213 = arith.constant 0 : i32
      %cond3A_214 = arith.cmpi ne, %convert_element_type3A_212, %cond3A_213 : i32
      scf.if %cond3A_214 {
        %dma_wait3A_248 = arith.constant 0 : i32
        %dma_wait3A_249 = arith.constant 0 : i32
        %dma_wait3A_250 = tpu.memref_slice %arg21[%dma_wait3A_248, %dma_wait3A_249] : memref<10000x128xf32, #tpu.memory_space<vmem_shared>> -> memref<10000x128xf32, #tpu.memory_space<vmem_shared>>
        tpu.wait_indirect_dma semaphore(%arg32 : memref<!tpu.dma_semaphore, #tpu.memory_space<semaphore_mem>>) src(%arg17 : memref<40x128xf32, #tpu.memory_space<vmem>>) dst(%dma_wait3A_250 : memref<10000x128xf32, #tpu.memory_space<vmem_shared>>)
        %add3A_251 = arith.constant 7 : i32
        %add3A_252 = arith.addi %add3A_207, %add3A_251 : i32
        %mul3A_253 = arith.constant 40 : i32
        %mul3A_254 = arith.muli %add3A_252, %mul3A_253 : i32
        %add3A_255 = arith.addi %add3A, %mul3A_254 : i32
        %dma_start3A_256 = tpu.memref_slice %arg4[%add3A_255] : memref<320000xi32, #tpu.memory_space<hbm>> -> memref<40xi32, #tpu.memory_space<hbm>>
        %dma_start3A_257 = tpu.memref_slice %arg4[%add3A_255] : memref<320000xi32, #tpu.memory_space<hbm>> -> memref<40xi32, #tpu.memory_space<hbm>>
        tpu.enqueue_dma source(%dma_start3A_257 : memref<40xi32, #tpu.memory_space<hbm>>) target(%arg10 : memref<40xi32, #tpu.memory_space<vmem>>) target_semaphore(%arg39 : memref<!tpu.dma_semaphore, #tpu.memory_space<semaphore_mem>>)
        %mul3A_258 = arith.constant 40 : i32
        %mul3A_259 = arith.muli %add3A_252, %mul3A_258 : i32
        %dma_start3A_260 = tpu.memref_slice %arg6[%mul3A_259] : memref<10000xi32, #tpu.memory_space<vmem>> -> memref<40xi32, #tpu.memory_space<vmem>>
        %dma_start3A_261 = arith.constant 0 : i32
        %dma_start3A_262 = arith.constant 0 : i32
        %dma_start3A_263 = tpu.memref_slice %arg2[%dma_start3A_261, %dma_start3A_262] : memref<10000x128xf32, #tpu.memory_space<hbm>> -> memref<10000x128xf32, #tpu.memory_space<hbm>>
        tpu.enqueue_indirect_dma source(%dma_start3A_263 : memref<10000x128xf32, #tpu.memory_space<hbm>>) target(%arg17 : memref<40x128xf32, #tpu.memory_space<vmem>>) offsets(%dma_start3A_260 : memref<40xi32, #tpu.memory_space<vmem>>) semaphore(%arg25 : memref<!tpu.dma_semaphore, #tpu.memory_space<semaphore_mem>>)
      } else {
      }
      %mul3A_215 = arith.constant 7 : i32
      %mul3A_216 = arith.muli %mul3A_215, %scan3A_110 : i32
      %add3A_217 = arith.constant 4 : i32
      %add3A_218 = arith.addi %mul3A_216, %add3A_217 : i32
      %add3A_219 = arith.constant 7 : i32
      %add3A_220 = arith.addi %add3A_218, %add3A_219 : i32
      %lt3A_221 = arith.constant 250 : i32
      %lt3A_222 = arith.cmpi slt, %add3A_220, %lt3A_221 : i32
      %convert_element_type3A_223 = arith.extui %lt3A_222 : i1 to i32
      %cond3A_224 = arith.constant 0 : i32
      %cond3A_225 = arith.cmpi ne, %convert_element_type3A_223, %cond3A_224 : i32
      scf.if %cond3A_225 {
        %dma_wait3A_248 = arith.constant 0 : i32
        %dma_wait3A_249 = arith.constant 0 : i32
        %dma_wait3A_250 = tpu.memref_slice %arg21[%dma_wait3A_248, %dma_wait3A_249] : memref<10000x128xf32, #tpu.memory_space<vmem_shared>> -> memref<10000x128xf32, #tpu.memory_space<vmem_shared>>
        tpu.wait_indirect_dma semaphore(%arg33 : memref<!tpu.dma_semaphore, #tpu.memory_space<semaphore_mem>>) src(%arg18 : memref<40x128xf32, #tpu.memory_space<vmem>>) dst(%dma_wait3A_250 : memref<10000x128xf32, #tpu.memory_space<vmem_shared>>)
        %add3A_251 = arith.constant 7 : i32
        %add3A_252 = arith.addi %add3A_218, %add3A_251 : i32
        %mul3A_253 = arith.constant 40 : i32
        %mul3A_254 = arith.muli %add3A_252, %mul3A_253 : i32
        %add3A_255 = arith.addi %add3A, %mul3A_254 : i32
        %dma_start3A_256 = tpu.memref_slice %arg4[%add3A_255] : memref<320000xi32, #tpu.memory_space<hbm>> -> memref<40xi32, #tpu.memory_space<hbm>>
        %dma_start3A_257 = tpu.memref_slice %arg4[%add3A_255] : memref<320000xi32, #tpu.memory_space<hbm>> -> memref<40xi32, #tpu.memory_space<hbm>>
        tpu.enqueue_dma source(%dma_start3A_257 : memref<40xi32, #tpu.memory_space<hbm>>) target(%arg11 : memref<40xi32, #tpu.memory_space<vmem>>) target_semaphore(%arg40 : memref<!tpu.dma_semaphore, #tpu.memory_space<semaphore_mem>>)
        %mul3A_258 = arith.constant 40 : i32
        %mul3A_259 = arith.muli %add3A_252, %mul3A_258 : i32
        %dma_start3A_260 = tpu.memref_slice %arg6[%mul3A_259] : memref<10000xi32, #tpu.memory_space<vmem>> -> memref<40xi32, #tpu.memory_space<vmem>>
        %dma_start3A_261 = arith.constant 0 : i32
        %dma_start3A_262 = arith.constant 0 : i32
        %dma_start3A_263 = tpu.memref_slice %arg2[%dma_start3A_261, %dma_start3A_262] : memref<10000x128xf32, #tpu.memory_space<hbm>> -> memref<10000x128xf32, #tpu.memory_space<hbm>>
        tpu.enqueue_indirect_dma source(%dma_start3A_263 : memref<10000x128xf32, #tpu.memory_space<hbm>>) target(%arg18 : memref<40x128xf32, #tpu.memory_space<vmem>>) offsets(%dma_start3A_260 : memref<40xi32, #tpu.memory_space<vmem>>) semaphore(%arg26 : memref<!tpu.dma_semaphore, #tpu.memory_space<semaphore_mem>>)
      } else {
      }
      %mul3A_226 = arith.constant 7 : i32
      %mul3A_227 = arith.muli %mul3A_226, %scan3A_110 : i32
      %add3A_228 = arith.constant 5 : i32
      %add3A_229 = arith.addi %mul3A_227, %add3A_228 : i32
      %add3A_230 = arith.constant 7 : i32
      %add3A_231 = arith.addi %add3A_229, %add3A_230 : i32
      %lt3A_232 = arith.constant 250 : i32
      %lt3A_233 = arith.cmpi slt, %add3A_231, %lt3A_232 : i32
      %convert_element_type3A_234 = arith.extui %lt3A_233 : i1 to i32
      %cond3A_235 = arith.constant 0 : i32
      %cond3A_236 = arith.cmpi ne, %convert_element_type3A_234, %cond3A_235 : i32
      scf.if %cond3A_236 {
        %dma_wait3A_248 = arith.constant 0 : i32
        %dma_wait3A_249 = arith.constant 0 : i32
        %dma_wait3A_250 = tpu.memref_slice %arg21[%dma_wait3A_248, %dma_wait3A_249] : memref<10000x128xf32, #tpu.memory_space<vmem_shared>> -> memref<10000x128xf32, #tpu.memory_space<vmem_shared>>
        tpu.wait_indirect_dma semaphore(%arg34 : memref<!tpu.dma_semaphore, #tpu.memory_space<semaphore_mem>>) src(%arg19 : memref<40x128xf32, #tpu.memory_space<vmem>>) dst(%dma_wait3A_250 : memref<10000x128xf32, #tpu.memory_space<vmem_shared>>)
        %add3A_251 = arith.constant 7 : i32
        %add3A_252 = arith.addi %add3A_229, %add3A_251 : i32
        %mul3A_253 = arith.constant 40 : i32
        %mul3A_254 = arith.muli %add3A_252, %mul3A_253 : i32
        %add3A_255 = arith.addi %add3A, %mul3A_254 : i32
        %dma_start3A_256 = tpu.memref_slice %arg4[%add3A_255] : memref<320000xi32, #tpu.memory_space<hbm>> -> memref<40xi32, #tpu.memory_space<hbm>>
        %dma_start3A_257 = tpu.memref_slice %arg4[%add3A_255] : memref<320000xi32, #tpu.memory_space<hbm>> -> memref<40xi32, #tpu.memory_space<hbm>>
        tpu.enqueue_dma source(%dma_start3A_257 : memref<40xi32, #tpu.memory_space<hbm>>) target(%arg12 : memref<40xi32, #tpu.memory_space<vmem>>) target_semaphore(%arg41 : memref<!tpu.dma_semaphore, #tpu.memory_space<semaphore_mem>>)
        %mul3A_258 = arith.constant 40 : i32
        %mul3A_259 = arith.muli %add3A_252, %mul3A_258 : i32
        %dma_start3A_260 = tpu.memref_slice %arg6[%mul3A_259] : memref<10000xi32, #tpu.memory_space<vmem>> -> memref<40xi32, #tpu.memory_space<vmem>>
        %dma_start3A_261 = arith.constant 0 : i32
        %dma_start3A_262 = arith.constant 0 : i32
        %dma_start3A_263 = tpu.memref_slice %arg2[%dma_start3A_261, %dma_start3A_262] : memref<10000x128xf32, #tpu.memory_space<hbm>> -> memref<10000x128xf32, #tpu.memory_space<hbm>>
        tpu.enqueue_indirect_dma source(%dma_start3A_263 : memref<10000x128xf32, #tpu.memory_space<hbm>>) target(%arg19 : memref<40x128xf32, #tpu.memory_space<vmem>>) offsets(%dma_start3A_260 : memref<40xi32, #tpu.memory_space<vmem>>) semaphore(%arg27 : memref<!tpu.dma_semaphore, #tpu.memory_space<semaphore_mem>>)
      } else {
      }
      %mul3A_237 = arith.constant 7 : i32
      %mul3A_238 = arith.muli %mul3A_237, %scan3A_110 : i32
      %add3A_239 = arith.constant 6 : i32
      %add3A_240 = arith.addi %mul3A_238, %add3A_239 : i32
      %add3A_241 = arith.constant 7 : i32
      %add3A_242 = arith.addi %add3A_240, %add3A_241 : i32
      %lt3A_243 = arith.constant 250 : i32
      %lt3A_244 = arith.cmpi slt, %add3A_242, %lt3A_243 : i32
      %convert_element_type3A_245 = arith.extui %lt3A_244 : i1 to i32
      %cond3A_246 = arith.constant 0 : i32
      %cond3A_247 = arith.cmpi ne, %convert_element_type3A_245, %cond3A_246 : i32
      scf.if %cond3A_247 {
        %dma_wait3A_248 = arith.constant 0 : i32
        %dma_wait3A_249 = arith.constant 0 : i32
        %dma_wait3A_250 = tpu.memref_slice %arg21[%dma_wait3A_248, %dma_wait3A_249] : memref<10000x128xf32, #tpu.memory_space<vmem_shared>> -> memref<10000x128xf32, #tpu.memory_space<vmem_shared>>
        tpu.wait_indirect_dma semaphore(%arg35 : memref<!tpu.dma_semaphore, #tpu.memory_space<semaphore_mem>>) src(%arg20 : memref<40x128xf32, #tpu.memory_space<vmem>>) dst(%dma_wait3A_250 : memref<10000x128xf32, #tpu.memory_space<vmem_shared>>)
        %add3A_251 = arith.constant 7 : i32
        %add3A_252 = arith.addi %add3A_240, %add3A_251 : i32
        %mul3A_253 = arith.constant 40 : i32
        %mul3A_254 = arith.muli %add3A_252, %mul3A_253 : i32
        %add3A_255 = arith.addi %add3A, %mul3A_254 : i32
        %dma_start3A_256 = tpu.memref_slice %arg4[%add3A_255] : memref<320000xi32, #tpu.memory_space<hbm>> -> memref<40xi32, #tpu.memory_space<hbm>>
        %dma_start3A_257 = tpu.memref_slice %arg4[%add3A_255] : memref<320000xi32, #tpu.memory_space<hbm>> -> memref<40xi32, #tpu.memory_space<hbm>>
        tpu.enqueue_dma source(%dma_start3A_257 : memref<40xi32, #tpu.memory_space<hbm>>) target(%arg13 : memref<40xi32, #tpu.memory_space<vmem>>) target_semaphore(%arg42 : memref<!tpu.dma_semaphore, #tpu.memory_space<semaphore_mem>>)
        %mul3A_258 = arith.constant 40 : i32
        %mul3A_259 = arith.muli %add3A_252, %mul3A_258 : i32
        %dma_start3A_260 = tpu.memref_slice %arg6[%mul3A_259] : memref<10000xi32, #tpu.memory_space<vmem>> -> memref<40xi32, #tpu.memory_space<vmem>>
        %dma_start3A_261 = arith.constant 0 : i32
        %dma_start3A_262 = arith.constant 0 : i32
        %dma_start3A_263 = tpu.memref_slice %arg2[%dma_start3A_261, %dma_start3A_262] : memref<10000x128xf32, #tpu.memory_space<hbm>> -> memref<10000x128xf32, #tpu.memory_space<hbm>>
        tpu.enqueue_indirect_dma source(%dma_start3A_263 : memref<10000x128xf32, #tpu.memory_space<hbm>>) target(%arg20 : memref<40x128xf32, #tpu.memory_space<vmem>>) offsets(%dma_start3A_260 : memref<40xi32, #tpu.memory_space<vmem>>) semaphore(%arg28 : memref<!tpu.dma_semaphore, #tpu.memory_space<semaphore_mem>>)
      } else {
      }
    }
    %scan3A_82 = arith.constant 36 : i32
    %dma_wait3A = arith.constant 0 : i32
    %dma_wait3A_83 = arith.constant 0 : i32
    %dma_wait3A_84 = tpu.memref_slice %arg21[%dma_wait3A, %dma_wait3A_83] : memref<10000x128xf32, #tpu.memory_space<vmem_shared>> -> memref<10000x128xf32, #tpu.memory_space<vmem_shared>>
    tpu.wait_indirect_dma semaphore(%arg29 : memref<!tpu.dma_semaphore, #tpu.memory_space<semaphore_mem>>) src(%arg14 : memref<40x128xf32, #tpu.memory_space<vmem>>) dst(%dma_wait3A_84 : memref<10000x128xf32, #tpu.memory_space<vmem_shared>>)
    %dma_wait3A_85 = arith.constant 0 : i32
    %dma_wait3A_86 = arith.constant 0 : i32
    %dma_wait3A_87 = tpu.memref_slice %arg21[%dma_wait3A_85, %dma_wait3A_86] : memref<10000x128xf32, #tpu.memory_space<vmem_shared>> -> memref<10000x128xf32, #tpu.memory_space<vmem_shared>>
    tpu.wait_indirect_dma semaphore(%arg30 : memref<!tpu.dma_semaphore, #tpu.memory_space<semaphore_mem>>) src(%arg15 : memref<40x128xf32, #tpu.memory_space<vmem>>) dst(%dma_wait3A_87 : memref<10000x128xf32, #tpu.memory_space<vmem_shared>>)
    %dma_wait3A_88 = arith.constant 0 : i32
    %dma_wait3A_89 = arith.constant 0 : i32
    %dma_wait3A_90 = tpu.memref_slice %arg21[%dma_wait3A_88, %dma_wait3A_89] : memref<10000x128xf32, #tpu.memory_space<vmem_shared>> -> memref<10000x128xf32, #tpu.memory_space<vmem_shared>>
    tpu.wait_indirect_dma semaphore(%arg31 : memref<!tpu.dma_semaphore, #tpu.memory_space<semaphore_mem>>) src(%arg16 : memref<40x128xf32, #tpu.memory_space<vmem>>) dst(%dma_wait3A_90 : memref<10000x128xf32, #tpu.memory_space<vmem_shared>>)
    %dma_wait3A_91 = arith.constant 0 : i32
    %dma_wait3A_92 = arith.constant 0 : i32
    %dma_wait3A_93 = tpu.memref_slice %arg21[%dma_wait3A_91, %dma_wait3A_92] : memref<10000x128xf32, #tpu.memory_space<vmem_shared>> -> memref<10000x128xf32, #tpu.memory_space<vmem_shared>>
    tpu.wait_indirect_dma semaphore(%arg32 : memref<!tpu.dma_semaphore, #tpu.memory_space<semaphore_mem>>) src(%arg17 : memref<40x128xf32, #tpu.memory_space<vmem>>) dst(%dma_wait3A_93 : memref<10000x128xf32, #tpu.memory_space<vmem_shared>>)
    %dma_wait3A_94 = arith.constant 0 : i32
    %dma_wait3A_95 = arith.constant 0 : i32
    %dma_wait3A_96 = tpu.memref_slice %arg21[%dma_wait3A_94, %dma_wait3A_95] : memref<10000x128xf32, #tpu.memory_space<vmem_shared>> -> memref<10000x128xf32, #tpu.memory_space<vmem_shared>>
    tpu.wait_indirect_dma semaphore(%arg33 : memref<!tpu.dma_semaphore, #tpu.memory_space<semaphore_mem>>) src(%arg18 : memref<40x128xf32, #tpu.memory_space<vmem>>) dst(%dma_wait3A_96 : memref<10000x128xf32, #tpu.memory_space<vmem_shared>>)
    %dma_wait3A_97 = arith.constant 0 : i32
    %dma_wait3A_98 = arith.constant 0 : i32
    %dma_wait3A_99 = tpu.memref_slice %arg21[%dma_wait3A_97, %dma_wait3A_98] : memref<10000x128xf32, #tpu.memory_space<vmem_shared>> -> memref<10000x128xf32, #tpu.memory_space<vmem_shared>>
    tpu.wait_indirect_dma semaphore(%arg34 : memref<!tpu.dma_semaphore, #tpu.memory_space<semaphore_mem>>) src(%arg19 : memref<40x128xf32, #tpu.memory_space<vmem>>) dst(%dma_wait3A_99 : memref<10000x128xf32, #tpu.memory_space<vmem_shared>>)
    %dma_wait3A_100 = arith.constant 0 : i32
    %dma_wait3A_101 = arith.constant 0 : i32
    %dma_wait3A_102 = tpu.memref_slice %arg21[%dma_wait3A_100, %dma_wait3A_101] : memref<10000x128xf32, #tpu.memory_space<vmem_shared>> -> memref<10000x128xf32, #tpu.memory_space<vmem_shared>>
    tpu.wait_indirect_dma semaphore(%arg35 : memref<!tpu.dma_semaphore, #tpu.memory_space<semaphore_mem>>) src(%arg20 : memref<40x128xf32, #tpu.memory_space<vmem>>) dst(%dma_wait3A_102 : memref<10000x128xf32, #tpu.memory_space<vmem_shared>>)
    %barrier3A_103 = arith.constant 0 : index
    tpu.barrier barrier_id(%barrier3A_103)
    %scan3A_104 = arith.constant 0 : i32
    %scan3A_105 = arith.constant 0 : i32
    %scan3A_106 = arith.constant 2 : i32
    %scan3A_107 = arith.addi %scan3A_105, %scan3A_106 : i32
    %scan3A_108 = arith.constant 1 : i32
    scf.for %scan3A_110 = %scan3A_105 to %scan3A_107 step %scan3A_108  : i32 {
      %mul3A_111 = arith.constant 16 : i32
      %mul3A_112 = arith.muli %scan3A_110, %mul3A_111 : i32
      %add3A_113 = arith.addi %mul3A_112, %arg1 : i32
      %lt3A = arith.constant 25 : i32
      %lt3A_114 = arith.cmpi slt, %add3A_113, %lt3A : i32
      %convert_element_type3A = arith.extui %lt3A_114 : i1 to i32
      %cond3A = arith.constant 0 : i32
      %cond3A_115 = arith.cmpi ne, %convert_element_type3A, %cond3A : i32
      scf.if %cond3A_115 {
        %mul3A_116 = arith.constant 400 : i32
        %mul3A_117 = arith.muli %add3A_113, %mul3A_116 : i32
        %mul3A_118 = arith.constant 10000 : i32
        %mul3A_119 = arith.muli %arg0, %mul3A_118 : i32
        %add3A_120 = arith.addi %mul3A_119, %mul3A_117 : i32
        "tpu.region"() ({
          %run_scoped3A = tpu.sem_alloc : memref<!tpu.dma_semaphore, #tpu.memory_space<semaphore_mem>>
          %dma_start3A_121 = arith.constant 0 : i32
          %dma_start3A_122 = tpu.memref_slice %arg5[%add3A_120, %dma_start3A_121] : memref<20000x128xf32, #tpu.memory_space<hbm>> -> memref<400x128xf32, #tpu.memory_space<hbm>>
          %dma_start3A_123 = arith.constant 0 : i32
          %dma_start3A_124 = tpu.memref_slice %arg21[%mul3A_117, %dma_start3A_123] : memref<10000x128xf32, #tpu.memory_space<vmem_shared>> -> memref<400x128xf32, #tpu.memory_space<vmem_shared>>
          tpu.enqueue_dma source(%dma_start3A_124 : memref<400x128xf32, #tpu.memory_space<vmem_shared>>) target(%dma_start3A_122 : memref<400x128xf32, #tpu.memory_space<hbm>>) target_semaphore(%run_scoped3A : memref<!tpu.dma_semaphore, #tpu.memory_space<semaphore_mem>>)
          %dma_wait3A_125 = arith.constant 0 : i32
          %dma_wait3A_126 = tpu.memref_slice %arg5[%add3A_120, %dma_wait3A_125] : memref<20000x128xf32, #tpu.memory_space<hbm>> -> memref<400x128xf32, #tpu.memory_space<hbm>>
          %dma_wait3A_127 = arith.constant 0 : i32
          %dma_wait3A_128 = tpu.memref_slice %arg21[%mul3A_117, %dma_wait3A_127] : memref<10000x128xf32, #tpu.memory_space<vmem_shared>> -> memref<400x128xf32, #tpu.memory_space<vmem_shared>>
          tpu.wait_dma2 semaphore(%run_scoped3A : memref<!tpu.dma_semaphore, #tpu.memory_space<semaphore_mem>>) src(%dma_wait3A_128 : memref<400x128xf32, #tpu.memory_space<vmem_shared>>) dst(%dma_wait3A_126 : memref<400x128xf32, #tpu.memory_space<hbm>>)
          tpu.yield
        }) : () -> ()
      } else {
      }
    }
    %scan3A_109 = arith.constant 2 : i32
    return
  }
}

module attributes {stable_mosaic.version = 14 : i64} {
  func.func @body(%arg0: i32, %arg1: memref<1xf32, #tpu.memory_space<smem>>, %arg2: memref<1000x128xf32, #tpu.memory_space<vmem>>, %arg3: memref<1000x128xf32, #tpu.memory_space<vmem>>, %arg4: memref<1000x128xf32, #tpu.memory_space<vmem>>, %arg5: memref<128x128xf32, #tpu.memory_space<vmem>>, %arg6: memref<1x128xf32, #tpu.memory_space<vmem>>, %arg7: memref<1x128xf32, #tpu.memory_space<vmem>>, %arg8: memref<1x128xf32, #tpu.memory_space<vmem>>, %arg9: memref<128x128xf32, #tpu.memory_space<vmem>>, %arg10: memref<1x128xf32, #tpu.memory_space<vmem>>, %arg11: memref<1000x128xf32, #tpu.memory_space<vmem>>) attributes {dimension_semantics = [#tpu.dimension_semantics<arbitrary>], iteration_bounds = array<i64: 10>, scalar_prefetch = 0 : i64, scratch_operands = 0 : i64, tpu.core_type = #tpu.core_type<tc>, window_params = [{transform_indices = @transform_0, window_bounds = array<i64: 1>}, {transform_indices = @transform_1, window_bounds = array<i64: 1000, 128>}, {transform_indices = @transform_2, window_bounds = array<i64: 1000, 128>}, {transform_indices = @transform_3, window_bounds = array<i64: 1000, 128>}, {pipeline_mode = #tpu.pipeline_mode<synchronous>, transform_indices = @transform_4, window_bounds = array<i64: 128, 128>}, {pipeline_mode = #tpu.pipeline_mode<synchronous>, transform_indices = @transform_5, window_bounds = array<i64: 1, 128>}, {pipeline_mode = #tpu.pipeline_mode<synchronous>, transform_indices = @transform_6, window_bounds = array<i64: 1, 128>}, {pipeline_mode = #tpu.pipeline_mode<synchronous>, transform_indices = @transform_7, window_bounds = array<i64: 1, 128>}, {pipeline_mode = #tpu.pipeline_mode<synchronous>, transform_indices = @transform_8, window_bounds = array<i64: 128, 128>}, {pipeline_mode = #tpu.pipeline_mode<synchronous>, transform_indices = @transform_9, window_bounds = array<i64: 1, 128>}, {transform_indices = @transform_10, window_bounds = array<i64: 1000, 128>}]} {
    %get3A = arith.constant 0 : index
    %get3A_0 = arith.constant 0 : index
    %get3A_1 = vector.load %arg2[%get3A, %get3A_0] : memref<1000x128xf32, #tpu.memory_space<vmem>>, vector<1000x128xf32>
    %get3A_2 = arith.constant 0 : index
    %get3A_3 = memref.load %arg1[%get3A_2] : memref<1xf32, #tpu.memory_space<smem>>
    %add3A = arith.constant 1.000000e+00 : f32
    %add3A_4 = arith.addf %add3A, %get3A_3 : f32
    %mul3A = vector.broadcast %add3A_4 : f32 to vector<1000x128xf32>
    %mul3A_5 = arith.mulf %get3A_1, %mul3A : vector<1000x128xf32>
    %get3A_6 = arith.constant 0 : index
    %get3A_7 = arith.constant 0 : index
    %get3A_8 = vector.load %arg3[%get3A_6, %get3A_7] : memref<1000x128xf32, #tpu.memory_space<vmem>>, vector<1000x128xf32>
    %add3A_9 = arith.addf %mul3A_5, %get3A_8 : vector<1000x128xf32>
    %get3A_10 = arith.constant 0 : index
    %get3A_11 = arith.constant 0 : index
    %get3A_12 = vector.load %arg4[%get3A_10, %get3A_11] : memref<1000x128xf32, #tpu.memory_space<vmem>>, vector<1000x128xf32>
    %add3A_13 = arith.addf %add3A_9, %get3A_12 : vector<1000x128xf32>
    %get3A_14 = arith.constant 0 : index
    %get3A_15 = arith.constant 0 : index
    %get3A_16 = vector.load %arg5[%get3A_14, %get3A_15] : memref<128x128xf32, #tpu.memory_space<vmem>>, vector<128x128xf32>
    %dot_general3A = arith.constant dense<0.000000e+00> : vector<1000x128xf32>
    %dot_general3A_17 = tpu.matmul %add3A_13, %get3A_16, %dot_general3A {dimension_numbers = #tpu.dot_dimension_numbers<[1], [0], [0], [1], [0, 0, 1, 1], [], []>, transpose_lhs_hint = false} : vector<1000x128xf32>, vector<128x128xf32>, vector<1000x128xf32> -> vector<1000x128xf32>
    %get3A_18 = arith.constant 0 : index
    %get3A_19 = arith.constant 0 : index
    %get3A_20 = vector.load %arg6[%get3A_18, %get3A_19] : memref<1x128xf32, #tpu.memory_space<vmem>>, vector<1x128xf32>
    %add3A_21 = vector.broadcast %get3A_20 : vector<1x128xf32> to vector<1000x128xf32>
    %add3A_22 = arith.addf %dot_general3A_17, %add3A_21 : vector<1000x128xf32>
    %reduce_sum3A = arith.constant dense<0.000000e+00> : vector<1000xf32>
    %reduce_sum3A_23 = vector.multi_reduction <add>, %add3A_22, %reduce_sum3A [1] : vector<1000x128xf32> to vector<1000xf32>
    %broadcast_in_dim3A = vector.shape_cast %reduce_sum3A_23 : vector<1000xf32> to vector<1000x1xf32>
    %div3A = arith.constant 1.280000e+02 : f32
    %div3A_24 = vector.broadcast %div3A : f32 to vector<1000x1xf32>
    %div3A_25 = arith.divf %broadcast_in_dim3A, %div3A_24 : vector<1000x1xf32>
    %sub3A = vector.broadcast %div3A_25 : vector<1000x1xf32> to vector<1000x128xf32>
    %sub3A_26 = arith.subf %add3A_22, %sub3A : vector<1000x128xf32>
    %mul3A_27 = arith.mulf %sub3A_26, %sub3A_26 : vector<1000x128xf32>
    %reduce_sum3A_28 = arith.constant dense<0.000000e+00> : vector<1000xf32>
    %reduce_sum3A_29 = vector.multi_reduction <add>, %mul3A_27, %reduce_sum3A_28 [1] : vector<1000x128xf32> to vector<1000xf32>
    %broadcast_in_dim3A_30 = vector.shape_cast %reduce_sum3A_29 : vector<1000xf32> to vector<1000x1xf32>
    %div3A_31 = arith.constant 1.280000e+02 : f32
    %div3A_32 = vector.broadcast %div3A_31 : f32 to vector<1000x1xf32>
    %div3A_33 = arith.divf %broadcast_in_dim3A_30, %div3A_32 : vector<1000x1xf32>
    %add3A_34 = arith.constant 9.99999974E-6 : f32
    %add3A_35 = vector.broadcast %add3A_34 : f32 to vector<1000x1xf32>
    %add3A_36 = arith.addf %div3A_33, %add3A_35 : vector<1000x1xf32>
    %rsqrt3A = math.rsqrt %add3A_36 : vector<1000x1xf32>
    %mul3A_37 = vector.broadcast %rsqrt3A : vector<1000x1xf32> to vector<1000x128xf32>
    %mul3A_38 = arith.mulf %sub3A_26, %mul3A_37 : vector<1000x128xf32>
    %get3A_39 = arith.constant 0 : index
    %get3A_40 = arith.constant 0 : index
    %get3A_41 = vector.load %arg7[%get3A_39, %get3A_40] : memref<1x128xf32, #tpu.memory_space<vmem>>, vector<1x128xf32>
    %mul3A_42 = vector.broadcast %get3A_41 : vector<1x128xf32> to vector<1000x128xf32>
    %mul3A_43 = arith.mulf %mul3A_38, %mul3A_42 : vector<1000x128xf32>
    %get3A_44 = arith.constant 0 : index
    %get3A_45 = arith.constant 0 : index
    %get3A_46 = vector.load %arg8[%get3A_44, %get3A_45] : memref<1x128xf32, #tpu.memory_space<vmem>>, vector<1x128xf32>
    %add3A_47 = vector.broadcast %get3A_46 : vector<1x128xf32> to vector<1000x128xf32>
    %add3A_48 = arith.addf %mul3A_43, %add3A_47 : vector<1000x128xf32>
    %max3A = arith.constant 0.000000e+00 : f32
    %max3A_49 = vector.broadcast %max3A : f32 to vector<1000x128xf32>
    %max3A_50 = arith.maximumf %add3A_48, %max3A_49 : vector<1000x128xf32>
    %get3A_51 = arith.constant 0 : index
    %get3A_52 = arith.constant 0 : index
    %get3A_53 = vector.load %arg9[%get3A_51, %get3A_52] : memref<128x128xf32, #tpu.memory_space<vmem>>, vector<128x128xf32>
    %dot_general3A_54 = arith.constant dense<0.000000e+00> : vector<1000x128xf32>
    %dot_general3A_55 = tpu.matmul %max3A_50, %get3A_53, %dot_general3A_54 {dimension_numbers = #tpu.dot_dimension_numbers<[1], [0], [0], [1], [0, 0, 1, 1], [], []>, transpose_lhs_hint = false} : vector<1000x128xf32>, vector<128x128xf32>, vector<1000x128xf32> -> vector<1000x128xf32>
    %get3A_56 = arith.constant 0 : index
    %get3A_57 = arith.constant 0 : index
    %get3A_58 = vector.load %arg10[%get3A_56, %get3A_57] : memref<1x128xf32, #tpu.memory_space<vmem>>, vector<1x128xf32>
    %add3A_59 = vector.broadcast %get3A_58 : vector<1x128xf32> to vector<1000x128xf32>
    %add3A_60 = arith.addf %dot_general3A_55, %add3A_59 : vector<1000x128xf32>
    %swap3A = arith.constant 0 : index
    %swap3A_61 = arith.constant 0 : index
    %swap3A_62 = vector.load %arg11[%swap3A, %swap3A_61] : memref<1000x128xf32, #tpu.memory_space<vmem>>, vector<1000x128xf32>
    tpu.vector_store %arg11[%swap3A, %swap3A_61], %add3A_60 {strides = array<i32>} : memref<1000x128xf32, #tpu.memory_space<vmem>>, vector<1000x128xf32>,
    return
  }
  func.func @transform_0(%arg0: i32) -> i32 {
    %c0_i32 = arith.constant 0 : i32
    %c0_i32_0 = arith.constant 0 : i32
    return %c0_i32 : i32
  }
  func.func @transform_1(%arg0: i32) -> (i32, i32) {
    %c0_i32 = arith.constant 0 : i32
    %c0_i32_0 = arith.constant 0 : i32
    return %arg0, %c0_i32 : i32, i32
  }
  func.func @transform_2(%arg0: i32) -> (i32, i32) {
    %c0_i32 = arith.constant 0 : i32
    %c0_i32_0 = arith.constant 0 : i32
    return %arg0, %c0_i32 : i32, i32
  }
  func.func @transform_3(%arg0: i32) -> (i32, i32) {
    %add3A = arith.constant 10 : i32
    %add3A_0 = arith.addi %arg0, %add3A : i32
    %c0_i32 = arith.constant 0 : i32
    %c0_i32_1 = arith.constant 0 : i32
    return %add3A_0, %c0_i32 : i32, i32
  }
  func.func @transform_4(%arg0: i32) -> (i32, i32) {
    %c0_i32 = arith.constant 0 : i32
    %c0_i32_0 = arith.constant 0 : i32
    %c0_i32_1 = arith.constant 0 : i32
    return %c0_i32, %c0_i32_0 : i32, i32
  }
  func.func @transform_5(%arg0: i32) -> (i32, i32) {
    %c0_i32 = arith.constant 0 : i32
    %c0_i32_0 = arith.constant 0 : i32
    %c0_i32_1 = arith.constant 0 : i32
    return %c0_i32, %c0_i32_0 : i32, i32
  }
  func.func @transform_6(%arg0: i32) -> (i32, i32) {
    %c0_i32 = arith.constant 0 : i32
    %c0_i32_0 = arith.constant 0 : i32
    %c0_i32_1 = arith.constant 0 : i32
    return %c0_i32, %c0_i32_0 : i32, i32
  }
  func.func @transform_7(%arg0: i32) -> (i32, i32) {
    %c0_i32 = arith.constant 0 : i32
    %c0_i32_0 = arith.constant 0 : i32
    %c0_i32_1 = arith.constant 0 : i32
    return %c0_i32, %c0_i32_0 : i32, i32
  }
  func.func @transform_8(%arg0: i32) -> (i32, i32) {
    %c0_i32 = arith.constant 0 : i32
    %c0_i32_0 = arith.constant 0 : i32
    %c0_i32_1 = arith.constant 0 : i32
    return %c0_i32, %c0_i32_0 : i32, i32
  }
  func.func @transform_9(%arg0: i32) -> (i32, i32) {
    %c0_i32 = arith.constant 0 : i32
    %c0_i32_0 = arith.constant 0 : i32
    %c0_i32_1 = arith.constant 0 : i32
    return %c0_i32, %c0_i32_0 : i32, i32
  }
  func.func @transform_10(%arg0: i32) -> (i32, i32) {
    %c0_i32 = arith.constant 0 : i32
    %c0_i32_0 = arith.constant 0 : i32
    return %arg0, %c0_i32 : i32, i32
  }
}

</mosaic_0001>

<sc_bundles>
// kernel: kernel.4.cloned.1.call-start
scs
__scs_entry_jumppad:
0x0: {  	(pc) =	sbr.rel $0x88, $3  }
0x1: {  	(tag) =	ssettag $0x0;
	lr =	simm.s32 $0x1  }
0x2: {  	[smem:$0x3F98] =	sst lr;
	_ =	strace $0xD0000000  }
0x3: {  	_ = 	snop  }
0x4: {  	_ = 	snop  }
0x5: {  	_ = 	snop  }
0x6: {  	_ = 	snop  }
0x7: {  	_ = 	snop  }
__scs_overlays_trampoline_lowered:
0x8: {  	[smem:$0x3FA7] =	sst s0  }
0x9: {  	[smem:$0x3FA8] =	sst s1  }
0xa: {  	[smem:$0x3FA9] =	sst s2  }
0xb: {  	[smem:$0x3FAA] =	sst s3  }
0xc: {  	[smem:$0x3FAB] =	sst s4  }
0xd: {  	[smem:$0x3FAC] =	sst s5  }
0xe: {  	[smem:$0x3FAD] =	sst s6  }
0xf: {  	[smem:$0x3FAE] =	sst s7  }
0x10: {  	[smem:$0x3FAF] =	sst s8  }
0x11: {  	[smem:$0x3FB0] =	sst s9;
	s0 =	simm.s32 @!p0 $0x0  }
0x12: {  	s1 =	sld [smem:$0x3F96];
	s0 =	simm.s32 @p0 $0x1  }
0x13: {  	[smem:$0x3FB1] =	sst s0;
	s0 =	simm.s32 @!p1 $0x0  }
0x14: {  	s2 =	sld [smem:$0x3F95];
	s0 =	simm.s32 @p1 $0x1  }
0x15: {  	[smem:$0x3FB2] =	sst s0;
	s0 =	simm.s32 @!p2 $0x0  }
0x16: {  	s3 =	sld [smem:$0x3FDB];
	s0 =	simm.s32 @p2 $0x1  }
0x17: {  	s4 =	simm.s32 $0x1BF5;
	[smem:$0x3FB4] =	sst s0  }
0x18: {  	s0 =	sld [smem:$0x3F97];
	_ =	swait.ge [sflag:s4], $0x0  }
0x19: {  	s7 =	sld [smem:$0x3F98]  }
0x1a: {  	s8 =	sadd.s32 $0xFFFFE003, lr  }
0x1b: {  	s9 =	sadd.s32 $0xFFFFFEF7, lr;
	s5 =	simm.s32 $0xFFFFFFFF;
	p2 =	slt.u32 s8, $0xFFFFF086  }
0x1c: {  	p1 =	slt.u32 s9, $0xF7A;
	s5 =	simm.s32 @!p2 $0x0  }
0x1d: {  	s5 =	simm.s32 @p1 $0x1;
	p0 =	seq.s32 s7, s2  }
0x1e: {  	s7 =	smul.u32 @!p0 $0xF7A, s2;
	p2 =	seq.s32 @!p0 s5, $0x0  }
0x1f: {  	s9 =	smul.u32 $0xF7A, s1;
	s8 =	simm.s32 @!p0 $0x1BF5;
	p2 =	por !p2, p0  }
0x20: {  	[sflag:s8] =	ssyncset.s32 @!p0 $0xFFFFF086;
	s6 =	sadd.s32 @!p0 s3, s7;
	s7 =	simm.s32 @!p0 $0x108  }
0x21: {  	s3 =	sadd.s32 s3, s9;
	s6 =	sadd.s32 @!p0 $0x88, s6;
	s7 =	simm.s32 @p2 $0x1082  }
0x22: {  	[simem:s7], [sflag:s8] =	dma.local @!p0 [hbm:s6], $0xF7A  }
0x23: {  	s9 =	sor.u32 $0xD0000000, s2;
	s6 =	simm.s32 $0x108;
	_ =	swait.ge @!p0 [sflag:s8], $0x0  }
0x24: {  	s3 =	sadd.s32 $0x88, s3;
	s6 =	simm.s32 @!p1 $0x1082;
	[sflag:s4] =	ssyncset.s32 $0xFFFFF086  }
0x25: {  	[simem:s6], [sflag:s4] =	dma.local [hbm:s3], $0xF7A  }
0x26: {  	[smem:$0x3F98] =	sst s1;
	(tag) =	ssettag s2;
	_ =	strace s9  }
0x27: {  	s1 =	sld [smem:$0x3FA8]  }
0x28: {  	s2 =	sld [smem:$0x3FA9]  }
0x29: {  	s4 =	sld [smem:$0x3FAB]  }
0x2a: {  	p0 =	seq.s32 s5, $0x0;
	s5 =	sld [smem:$0x3FAC]  }
0x2b: {  	s6 =	sld [smem:$0x3FAD]  }
0x2c: {  	s7 =	sld [smem:$0x3FAE]  }
0x2d: {  	s3 =	simm.s32 $0x108;
	s8 =	sld [smem:$0x3FAF]  }
0x2e: {  	s3 =	simm.s32 @!p0 $0x1082;
	s9 =	sld [smem:$0x3FB0]  }
0x2f: {  	lr =	sadd.s32 s0, s3;
	s0 =	sld [smem:$0x3FA7]  }
0x30: {  	s3 =	sld [smem:$0x3FAA]  }
0x31: {  	[smem:$0x3FB3] =	sst s10  }
0x32: {  	s10 =	sld [smem:$0x3FB1];
	_ =	sdelay $0x3  }
0x33: {  	p0 =	seq.s32 s10, $0x1;
	s10 =	sld [smem:$0x3FB3];
	_ =	sdelay $0x3  }
0x34: {  	[smem:$0x3FB3] =	sst s10  }
0x35: {  	s10 =	sld [smem:$0x3FB2];
	_ =	sdelay $0x3  }
0x36: {  	p1 =	seq.s32 s10, $0x1;
	s10 =	sld [smem:$0x3FB3];
	_ =	sdelay $0x3  }
0x37: {  	[smem:$0x3FB3] =	sst s10  }
0x38: {  	s10 =	sld [smem:$0x3FB4]  }
0x39: {  	_ = 	snop;
	(pc) =	sbr.ind lr, $3  }
0x3a: {  	_ = 	snop  }
0x3b: {  	_ = 	snop  }
0x3c: {  	p2 =	seq.s32 s10, $0x1;
	s10 =	sld [smem:$0x3FB3]  }
0x3d: {  	_ =	shalt  }
0x3e: {  	_ =	shalt  }
0x3f: {  	_ =	shalt  }
0x40: {  	_ =	shalt  }
0x41: {  	_ =	shalt  }
0x42: {  	_ =	shalt  }
0x43: {  	_ =	shalt  }
0x44: {  	_ =	shalt  }
0x45: {  	_ =	shalt  }
0x46: {  	_ =	shalt  }
0x47: {  	_ =	shalt  }
0x48: {  	_ =	shalt  }
0x49: {  	_ =	shalt  }
0x4a: {  	_ =	shalt  }
0x4b: {  	_ =	shalt  }
0x4c: {  	_ =	shalt  }
0x4d: {  	_ =	shalt  }
0x4e: {  	_ =	shalt  }
0x4f: {  	_ =	shalt  }
0x50: {  	_ =	shalt  }
0x51: {  	_ =	shalt  }
0x52: {  	_ =	shalt  }
0x53: {  	_ =	shalt  }
0x54: {  	_ =	shalt  }
0x55: {  	_ =	shalt  }
0x56: {  	_ =	shalt  }
0x57: {  	_ =	shalt  }
0x58: {  	_ =	shalt  }
0x59: {  	_ =	shalt  }
0x5a: {  	_ =	shalt  }
0x5b: {  	_ =	shalt  }
0x5c: {  	_ =	shalt  }
0x5d: {  	_ =	shalt  }
0x5e: {  	_ =	shalt  }
0x5f: {  	_ =	shalt  }
0x60: {  	_ =	shalt  }
0x61: {  	_ =	shalt  }
0x62: {  	_ =	shalt  }
0x63: {  	_ =	shalt  }
0x64: {  	_ =	shalt  }
0x65: {  	_ =	shalt  }
0x66: {  	_ =	shalt  }
0x67: {  	_ =	shalt  }
0x68: {  	_ =	shalt  }
0x69: {  	_ =	shalt  }
0x6a: {  	_ =	shalt  }
0x6b: {  	_ =	shalt  }
0x6c: {  	_ =	shalt  }
0x6d: {  	_ =	shalt  }
0x6e: {  	_ =	shalt  }
0x6f: {  	_ =	shalt  }
0x70: {  	_ =	shalt  }
0x71: {  	_ =	shalt  }
0x72: {  	_ =	shalt  }
0x73: {  	_ =	shalt  }
0x74: {  	_ =	shalt  }
0x75: {  	_ =	shalt  }
0x76: {  	_ =	shalt  }
0x77: {  	_ =	shalt  }
0x78: {  	_ =	shalt  }
0x79: {  	_ =	shalt  }
0x7a: {  	_ =	shalt  }
0x7b: {  	_ =	shalt  }
0x7c: {  	_ =	shalt  }
0x7d: {  	_ =	shalt  }
0x7e: {  	_ =	shalt  }
0x7f: {  	_ =	shalt  }
0x80: {  	_ =	shalt  }
0x81: {  	_ =	shalt  }
0x82: {  	_ =	shalt  }
0x83: {  	_ =	shalt  }
0x84: {  	_ =	shalt  }
0x85: {  	_ =	shalt  }
0x86: {  	_ =	shalt  }
0x87: {  	_ =	shalt  }
.Lfunc_end0:
.L_simem_size_0:
called_computation_lowered:
.L_overlay_start_0:
0x88: {  	s2 =	sld [smem:$0x3FD9]  }
0x89: {  	s3 =	sld [smem:$0x3FFE];
	_ =	sdelay $0x1  }
0x8a: {  	s1 =	srdreg.scid  }
0x8b: {  	s0 =	sand.u32 $0x1, s1  }
0x8c: {  	s17 =	sshll.u32 s0, $0xA;
	s2 =	sadd.s32 s3, s2  }
0x8d: {  	s2 =	sadd.s32 s2, s17  }
0x8e: {  	[smem:$0x3FBF] =	sst s2  }
0x8f: {  	_ = 	snop  }
0x90: {  	s2 =	sld [smem:$0x3FC9]  }
0x91: {  	s18 =	sld [smem:$0x3FD0];
	(tm) =	ssettm $0x1  }
0x92: {  	s4 =	sld [smem:$0x3FFB];
	_ =	sdelay $0x3  }
0x93: {  	_ =	strace s4  }
0x94: {  	s4 =	sld [smem:$0x3FFC];
	_ =	sdelay $0x3  }
0x95: {  	_ =	strace s4  }
0x96: {  	s4 =	sld [smem:$0x3FFD];
	_ =	sdelay $0x3  }
0x97: {  	_ =	strace s4  }
0x98: {  	_ =	strace $0x8FFFFFFF  }
0x99: {  	s19 =	sld [smem:$0x3FDB];
	_ =	sdelay $0x1  }
0x9a: {  	s5 =	simm.s32 $_scs_section_size  }
0x9b: {  	s6 =	simm.s32 $_size__tile_overlayer_lowered;
	s7 =	simm.s32 $_tile_overlayer_lowered  }
0x9c: {  	s22 =	simm.s32 $0x1BFF;
	s21 =	sshll.u32 s7, $0x1;
	s4 =	sadd.s32 s5, s19  }
0x9d: {  	s8 =	simm.s32 $0x0;
	s20 =	sshll.u32 s6, $0x1;
	s6 =	sadd.s32 s21, s4  }
0x9e: {  	[timem:s8], [sflag:s22] =	dma.local [hbm:s6], s20  }
0x9f: {  	_ =	swait.ge [sflag:s22], s20  }
0xa0: {  	s5 =	ssub.s32 $0x0, s20;
	[sflag:s22] =	ssyncset.done $0x0  }
0xa1: {  	[sflag:s22] =	ssyncadd.s32 s5;
	_ =	sdelay $0x1  }
0xa2: {  	s23 =	simm.s32 $0x1B8B  }
0xa3: {  	_ =	swait.ge [sflag:s23], $0x1  }
0xa4: {  	[sflag:s23] =	ssyncset.done $0x0  }
0xa5: {  	s25 =	simm.s32 $0x1B8E;
	s24 =	sld [smem:$0x3FFE];
	[sflag:s23] =	ssyncadd.s32 $0xFFFFFFFF  }
0xa6: {  	s26 =	simm.s32 $execute0_lowered;
	[smem:$0x3FD2] =	sst s25  }
0xa7: {  	s6 =	sshll.u32 s26, $0x1;
	_ =	strace $0x80000046;
	[dreg:$0x1] =	wrdreg $0xFFFFFFFF  }
0xa8: {  	s28 =	simm.s32 $_size_execute0_lowered;
	s4 =	sadd.s32 s4, s6;
	[dreg:$0x0] =	wrdreg $0x0  }
0xa9: {  	s6 =	sshll.u32 s28, $0x1;
	[dreg:$0x2] =	wrdreg s4  }
0xaa: {  	[dreg:$0x3] =	wrdreg s6  }
0xab: {  	[dreg:$0x4] =	wrdreg $0xC0  }
0xac: {  	_ =	task [dreg:s8], $0x5FFFF  }
0xad: {  	[dreg:$0x1] =	wrdreg $0xFFFFFFFF  }
0xae: {  	[dreg:$0x0] =	wrdreg $0x60  }
0xaf: {  	[dreg:$0x2] =	wrdreg s2  }
0xb0: {  	[dreg:$0x3] =	wrdreg s24  }
0xb1: {  	[dreg:$0x4] =	wrdreg s18  }
0xb2: {  	[dreg:$0x5] =	wrdreg $0xB7000  }
0xb3: {  	[dreg:$0x6] =	wrdreg $0x9  }
0xb4: {  	_ =	task.clear_ibuf [dreg:s8], $0x7FFFF;
	_ =	strace $0x90000046  }
0xb5: {  	s29 =	simm.s32 $0x9;
	_ =	strace $0x80000048  }
0xb6: {  	_ =	swait.ge [sflag:s29], $0x1  }
0xb7: {  	[sflag:s29] =	ssyncadd.s32 $0xFFFFFFFF  }
0xb8: {  	_ =	strace $0x90000048  }
0xb9: {  	_ =	sfence  }
0xba: {  	s30 =	sld [smem:$0x0];
	_ =	sdelay $0x2  }
0xbb: {  	s31 =	sshll.u32 s1, $0xD;
	s1 =	sshrl.u32 s1, $0x2  }
0xbc: {  	s3 =	sand.u32 $0x4000, s31;
	s1 =	sadd.s32 s1, s30  }
0xbd: {  	s0 =	sor.u32 s3, s0;
	s1 =	sshll.u32 s1, $0x11  }
0xbe: {  	s0 =	sor.u32 s1, s0  }
0xbf: {  	s0 =	sadd.s32 $0x8F2B, s0  }
0xc0: {  	[sflag:s0] =	ssyncadd.remote.s32 $0x1  }
0xc1: {  	_ =	sfence.sel $0xFFFF  }
0xc2: {  	[dreg:$0x0] =	wrdreg $0xFFFFFFFF;
	(pc) =	sbr.abs _section_cstart, $3  }
0xc3: {  	[dreg:$0x1] =	wrdreg $0xFFFFFFFF  }
0xc4: {  	_ =	task.clear_ibuf [dreg:s8], $0x2FFFF;
	_ =	strace $0x9FFFFFFF  }
0xc5: {  	(tm) =	ssettm $0x7FFFFFFF  }
tec
execute0_lowered:
.L_overlay_start_1:
0x0: {  	(tag) =	ssettag $0x1  }
0x1: {  	s1 =	rddreg [dreg:$0x0]  }
0x2: {  	s0 =	srdreg.scid;
	s2 =	rddreg [dreg:$0x1]  }
0x3: {  	s11 =	rddreg [dreg:$0x2];
	s3 =	sand.u32 $0x1, s0  }
0x4: {  	s0 =	stileid.u32;
	s5 =	smul.u32 $0x27100, s3  }
0x5: {  	s4 =	rddreg [dreg:$0x3];
	s7 =	simm.s32 $0x0;
	s6 =	smul.u32 $0x2710, s0  }
0x6: {  	s30 =	simm.s32 $0x28;
	s29 =	simm.s32 $0x5300;
	s20 =	smul.u32 $0x32000, s0  }
0x7: {  	s31 =	simm.s32 $0x6700;
	s28 =	simm.s32 $0x13;
	s21 =	smul.u32 $0x1900, s0  }
0x8: {  	[smem:$0x7FF] =	sst s7;
	s22 =	sor.u32 $0x10, s0;
	s24 =	smul.u32 $0x5000, s0  }
0x9: {  	s3 =	ssub.s32 $0x2, s3;
	_ =	strace $0x80000047;
	s23 =	smul.u32 $0x32000, s22  }
0xa: {  	s9 =	sshrl.u32 s3, $0x1;
	s26 =	smul.u32 $0x1900, s22;
	p0 =	sgt.u32 s22, $0x18  }
0xb: {  	s6 =	sadd.s32 s6, s5;
	s3 =	ssub.s32 s3, s9;
	s9 =	simm.s32 $0x2780  }
0xc: {  	s14 =	sshrl.u32 s6, $0x3;
	s15 =	sadd.s32 $0x28, s6;
	s16 =	sadd.s32 $0x78, s6  }
0xd: {  	s18 =	sadd.s32 $0xC8, s6;
	s3 =	smax.u32 s3, $0x1;
	s25 =	sshrl.u32 s23, $0x2  }
0xe: {  	s10 =	sadd.s32 $0x208, s6;
	s22 =	sadd.s32 $0x140, s6;
	s8 =	sadd.s32 s14, s2  }
0xf: {  	s2 =	sadd.s32 s5, s2;
	s5 =	sshrl.u32 s15, $0x3;
	s12 =	sadd.s32 s11, s14  }
0x10: {  	s17 =	sshrl.u32 s16, $0x3;
	[dreg:$0xc] =	wrdreg s3;
	s23 =	sshrl.u32 s22, $0x3  }
0x11: {  	s14 =	sadd.s32 $0x1E0, s6;
	s15 =	sadd.s32 $0x1B8, s6;
	[dreg:$0x14] =	wrdreg s23  }
0x12: {  	s16 =	sadd.s32 $0x190, s6;
	s8 =	sadd.s32 $0x1200, s8;
	[dreg:$0x6] =	wrdreg s12  }
0x13: {  	s22 =	simm.s32 $0x2900;
	s5 =	sadd.s32 s11, s5;
	[dreg:$0x5] =	wrdreg s8  }
0x14: {  	s7 =	sadd.s32 $0xA, s12;
	s19 =	sadd.s32 $0x14, s12;
	[dreg:$0x7] =	wrdreg s5  }
0x15: {  	s2 =	sadd.s32 $0xB000, s2;
	s23 =	simm.s32 $0x12;
	[dreg:$0x8] =	wrdreg s7  }
0x16: {  	s5 =	sadd.s32 s11, s17;
	[dreg:$0xa] =	wrdreg s19;
	s7 =	sshrl.u32 s20, $0x2  }
0x17: {  	s19 =	sshrl.u32 s14, $0x3;
	s20 =	sshrl.u32 s15, $0x3;
	s17 =	sadd.s32 $0x168, s6  }
0x18: {  	s8 =	simm.s32 $0x16;
	s14 =	simm.s32 $0xF;
	s15 =	simm.s32 $0x1  }
0x19: {  	[dreg:$0x9] =	wrdreg s5;
	s5 =	sshrl.u32 s18, $0x3;
	s3 =	sadd.s32 s7, s4  }
0x1a: {  	s7 =	sshrl.u32 s24, $0x2;
	s18 =	sshrl.u32 s10, $0x3;
	s24 =	sadd.s32 $0x118, s6  }
0x1b: {  	s10 =	simm.s32 $0x2B00;
	s6 =	simm.s32 $0x3F00;
	s5 =	sadd.s32 s11, s5  }
0x1c: {  	s13 =	sadd.s32 s7, s4;
	[dreg:$0x10] =	wrdreg s24;
	s7 =	simm.s32 $0x10  }
0x1d: {  	s24 =	simm.s32 $0x2;
	[dreg:$0xb] =	wrdreg s5;
	s5 =	sadd.s32 s2, s21  }
0x1e: {  	s2 =	sadd.s32 s2, s26;
	[dreg:$0xf] =	wrdreg s13;
	s21 =	sshrl.u32 s16, $0x3  }
0x1f: {  	s13 =	sshrl.u32 s17, $0x3;
	s26 =	sadd.s32 $0x1E, s12;
	[dreg:$0xd] =	wrdreg s5  }
0x20: {  	s12 =	simm.s32 $0x2800;
	s17 =	simm.s32 $0x2880;
	[dreg:$0xe] =	wrdreg s2  }
0x21: {  	s5 =	sadd.s32 s25, s4;
	s25 =	sshrl.u32 s3, $0x3;
	[dreg:$0x13] =	wrdreg s26  }
0x22: {  	s16 =	simm.s32 $0x4;
	s3 =	simm.s32 $0x0;
	[dreg:$0x11] =	wrdreg s25  }
0x23: {  	s26 =	simm.s32 $0x3;
	s2 =	sshrl.u32 @!p0 s5, $0x3;
	[dreg:$0x15] =	wrdreg s3  }
0x24: {  	v0 =	vimm.f32 $0.0e+00;
	s25 =	simm.s32 $0x11;
	s5 =	simm.s32 $0x5;
	[dreg:$0x12] =	wrdreg s2  }
.LBB2_1:
0x25: {  	s2 =	simm.s32 $0x0;
	s3 =	rddreg [dreg:$0x5]  }
0x26: {  	[tilespmem:s2], [sflag:$0x16] =	stream.linear.gather [hbm4b:s3+s2], $0x2710, $0x38;
	[tilespmem:$0x1EF80] =	vst v63  }
0x27: {  	_ =	swait.ge [sflag:s8], $0x2710  }
0x28: {  	[sflag:s8] =	ssyncset.done $0x0  }
0x29: {  	[sflag:s8] =	ssyncadd.s32 $0xFFFFD8F0;
	s8 =	rddreg [dreg:$0x6]  }
0x2a: {  	[tilespmem:s9], [sflag:$0xF] =	stream.linear.gather [hbm4b:s8+s2], $0x28, $0x38;
	[tilespmem:$0x1EF80] =	vst v63  }
0x2b: {  	_ = 	snop  }
0x2c: {  	[tilespmem:s10], [sflag:$0x1] =	stream.indirect.gather [hbm4b:s1+s30], $0x80, s2, s30, $0xb8;
	[tilespmem:$0x1EF80] =	vst v63  }
0x2d: {  	s8 =	rddreg [dreg:$0x7]  }
0x2e: {  	[tilespmem:s12], [sflag:$0x10] =	stream.linear.gather [hbm4b:s8+s2], $0x28, $0x38;
	[tilespmem:$0x1EF80] =	vst v63  }
0x2f: {  	_ = 	snop  }
0x30: {  	[tilespmem:s6], [sflag:$0x2] =	stream.indirect.gather [hbm4b:s1+s30], $0x80, s30, s30, $0xb8;
	[tilespmem:$0x1EF80] =	vst v63  }
0x31: {  	s6 =	rddreg [dreg:$0x8]  }
0x32: {  	[tilespmem:s17], [sflag:$0x11] =	stream.linear.gather [hbm4b:s6+s2], $0x28, $0x38;
	[tilespmem:$0x1EF80] =	vst v63  }
0x33: {  	s8 =	simm.s32 $0x50  }
0x34: {  	[tilespmem:s29], [sflag:$0x3] =	stream.indirect.gather [hbm4b:s1+s30], $0x80, s8, s30, $0xb8;
	[tilespmem:$0x1EF80] =	vst v63  }
0x35: {  	s17 =	rddreg [dreg:$0x9]  }
0x36: {  	[tilespmem:s22], [sflag:$0x12] =	stream.linear.gather [hbm4b:s17+s2], $0x28, $0x38;
	[tilespmem:$0x1EF80] =	vst v63  }
0x37: {  	s22 =	simm.s32 $0x78  }
0x38: {  	[tilespmem:s31], [sflag:$0x4] =	stream.indirect.gather [hbm4b:s1+s30], $0x80, s22, s30, $0xb8;
	[tilespmem:$0x1EF80] =	vst v63  }
0x39: {  	s29 =	rddreg [dreg:$0xa];
	s31 =	simm.s32 $0x2980  }
0x3a: {  	[tilespmem:s31], [sflag:$0x13] =	stream.linear.gather [hbm4b:s29+s2], $0x28, $0x38;
	[tilespmem:$0x1EF80] =	vst v63  }
0x3b: {  	s6 =	simm.s32 $0xA0;
	s8 =	simm.s32 $0x7B00  }
0x3c: {  	[tilespmem:s8], [sflag:$0x5] =	stream.indirect.gather [hbm4b:s1+s30], $0x80, s6, s30, $0xb8;
	[tilespmem:$0x1EF80] =	vst v63  }
0x3d: {  	s3 =	simm.s32 $0x0;
	s17 =	rddreg [dreg:$0xb];
	s22 =	simm.s32 $0x2A00  }
0x3e: {  	[tilespmem:s22], [sflag:$0x14] =	stream.linear.gather [hbm4b:s17+s2], $0x28, $0x38;
	[tilespmem:$0x1EF80] =	vst v63  }
0x3f: {  	s29 =	simm.s32 $0xC8;
	s31 =	simm.s32 $0x8F00;
	s2 =	simm.s32 $0x0  }
0x40: {  	[tilespmem:s31], [sflag:$0x6] =	stream.indirect.gather [hbm4b:s1+s30], $0x80, s29, s30, $0xb8;
	[tilespmem:$0x1EF80] =	vst v63  }
.LBB2_2:
0x41: {  	p1 =	sne.s32 s3, $0x4FC0  }
.Ltmp0:
0x42: {  	_ = 	snop;
	(pc) =	sbr.rel @p1 .LBB2_2-.Ltmp0, $4  }
0x43: {  	s6 =	sand.u32 $0x7E00, s3  }
0x44: {  	s29 =	sand.u32 $0x70, s2;
	s6 =	sshrl.u32 s6, $0x2  }
0x45: {  	s6 =	sor.u32 s29, s6  }
0x46: {  	s2 =	sadd.s32 $0x10, s2;
	s3 =	sadd.s32 $0x40, s3;
	[tilespmem:s6+$0xA300] =	vst v0  }
0x47: {  	s2 =	sadd.s32 $0x0, s0  }
0x48: {  	p1 =	sgt.u32 s2, $0xF9  }
0x49: {  	s8 =	rddreg [dreg:$0xf];
	s2 =	simm.s32 @!p1 $0xA300;
	s29 =	simm.s32 @!p1 $0x16  }
0x4a: {  	[spmem:s8] =	stream.linear.scatter @!p1 [tilespmem:s2], [sflag:$0x16], $0x1400, $0x38;
	[tilespmem:$0x1EF80] =	vst v63  }
0x4b: {  	s3 =	simm.s32 $0x10;
	_ =	swait.ge @!p1 [sflag:s29], $0x1400  }
0x4c: {  	s6 =	simm.s32 $0x20;
	s2 =	sadd.s32 $0x14000, s8;
	[sflag:s29] =	ssyncset.done @!p1 $0x0  }
.LBB2_4:
0x4d: {  	s31 =	sadd.s32 s3, s0;
	s3 =	smov.u32 s6;
	s6 =	sadd.s32 $0x10, s6  }
0x4e: {  	[sflag:s29] =	ssyncadd.s32 @!p1 $0xFFFFEC00;
	p2 =	sne.s32 s6, $0x100  }
.Ltmp1:
0x4f: {  	p1 =	sgt.u32 s31, $0xF9;
	(pc) =	sbr.rel @p2 .LBB2_4-.Ltmp1, $4  }
0x50: {  	s31 =	simm.s32 @!p1 $0xA300;
	s29 =	simm.s32 @!p1 $0x16  }
0x51: {  	[spmem:s2] =	stream.linear.scatter @!p1 [tilespmem:s31], [sflag:$0x16], $0x1400, $0x38;
	[tilespmem:$0x1EF80] =	vst v63  }
0x52: {  	_ =	swait.ge @!p1 [sflag:s29], $0x1400  }
0x53: {  	s2 =	sadd.s32 $0x14000, s2;
	[sflag:s29] =	ssyncset.done @!p1 $0x0  }
0x54: {  	s3 =	sadd.s32 s3, s0  }
0x55: {  	p2 =	sgt.u32 s3, $0xF9  }
0x56: {  	[sflag:s29] =	ssyncadd.s32 @!p1 $0xFFFFEC00;
	s3 =	simm.s32 @!p2 $0xA300;
	s6 =	simm.s32 @!p2 $0x16  }
0x57: {  	[spmem:s2] =	stream.linear.scatter @!p2 [tilespmem:s3], [sflag:$0x16], $0x1400, $0x38;
	[tilespmem:$0x1EF80] =	vst v63  }
0x58: {  	_ =	swait.ge @!p2 [sflag:s6], $0x1400  }
0x59: {  	s8 =	simm.s32 $0x2A80;
	[sflag:s6] =	ssyncset.done @!p2 $0x0  }
0x5a: {  	s3 =	simm.s32 $0x0;
	[sflag:s6] =	ssyncadd.s32 @!p2 $0xFFFFEC00;
	s6 =	rddreg [dreg:$0x13]  }
0x5b: {  	[tilespmem:s8], [sflag:$0x15] =	stream.linear.gather [hbm4b:s6+s3], $0x28, $0x38;
	[tilespmem:$0x1EF80] =	vst v63  }
0x5c: {  	s17 =	simm.s32 $0xF0;
	s22 =	simm.s32 $0xA300  }
0x5d: {  	[tilespmem:s22], [sflag:$0x7] =	stream.indirect.gather [hbm4b:s1+s30], $0x80, s17, s30, $0xb8;
	[tilespmem:$0x1EF80] =	vst v63  }
0x5e: {  	[bflag:$0x0] =	sbarrier.arrive $0xFFFF  }
0x5f: {  	s31 =	smov.u32 s11;
	s29 =	rddreg [dreg:$0x10]  }
0x60: {  	s2 =	simm.s32 $0x0;
	s22 =	simm.s32 $0x7B00;
	s17 =	rddreg [dreg:$0x14]  }
.LBB2_6:
0x61: {  	_ =	swait.ge [sflag:s14], $0x28  }
0x62: {  	[sflag:s14] =	ssyncset.done $0x0  }
0x63: {  	[sflag:s14] =	ssyncadd.s32 $0xFFFFFFD8  }
0x64: {  	_ =	swait.ge [sflag:s15], $0x1400  }
0x65: {  	[sflag:s15] =	ssyncset.done $0x0  }
0x66: {  	[sflag:s15] =	ssyncadd.s32 $0xFFFFEC00  }
0x67: {  	[spmem:s4] =	stream.indirect.scatter.add.f32 [tilespmem:s10], [sflag:$0x8], $0x80, s9, s30, $0xb8;
	[tilespmem:$0x1EF80] =	vst v63  }
0x68: {  	_ =	swait.ge [sflag:s7], $0x28  }
0x69: {  	[sflag:s7] =	ssyncset.done $0x0  }
0x6a: {  	[sflag:s7] =	ssyncadd.s32 $0xFFFFFFD8  }
0x6b: {  	_ =	swait.ge [sflag:s24], $0x1400  }
0x6c: {  	[sflag:s24] =	ssyncset.done $0x0  }
0x6d: {  	s6 =	simm.s32 $0x3F00;
	[sflag:s24] =	ssyncadd.s32 $0xFFFFEC00  }
0x6e: {  	[spmem:s4] =	stream.indirect.scatter.add.f32 [tilespmem:s6], [sflag:$0x9], $0x80, s12, s30, $0xb8;
	[tilespmem:$0x1EF80] =	vst v63  }
0x6f: {  	_ =	swait.ge [sflag:s25], $0x28  }
0x70: {  	[sflag:s25] =	ssyncset.done $0x0  }
0x71: {  	[sflag:s25] =	ssyncadd.s32 $0xFFFFFFD8  }
0x72: {  	_ =	swait.ge [sflag:s26], $0x1400  }
0x73: {  	[sflag:s26] =	ssyncset.done $0x0  }
0x74: {  	s8 =	simm.s32 $0x5300;
	s12 =	simm.s32 $0x2880;
	[sflag:s26] =	ssyncadd.s32 $0xFFFFEC00  }
0x75: {  	[spmem:s4] =	stream.indirect.scatter.add.f32 [tilespmem:s8], [sflag:$0xA], $0x80, s12, s30, $0xb8;
	[tilespmem:$0x1EF80] =	vst v63  }
0x76: {  	_ =	swait.ge [sflag:s23], $0x28  }
0x77: {  	[sflag:s23] =	ssyncset.done $0x0  }
0x78: {  	[sflag:s23] =	ssyncadd.s32 $0xFFFFFFD8  }
0x79: {  	_ =	swait.ge [sflag:s16], $0x1400  }
0x7a: {  	[sflag:s16] =	ssyncset.done $0x0  }
0x7b: {  	s9 =	simm.s32 $0x2900;
	s10 =	simm.s32 $0x6700;
	[sflag:s16] =	ssyncadd.s32 $0xFFFFEC00  }
0x7c: {  	[spmem:s4] =	stream.indirect.scatter.add.f32 [tilespmem:s10], [sflag:$0xB], $0x80, s9, s30, $0xb8;
	[tilespmem:$0x1EF80] =	vst v63  }
0x7d: {  	_ =	swait.ge [sflag:s28], $0x28  }
0x7e: {  	[sflag:s28] =	ssyncset.done $0x0  }
0x7f: {  	[sflag:s28] =	ssyncadd.s32 $0xFFFFFFD8  }
0x80: {  	_ =	swait.ge [sflag:s5], $0x1400  }
0x81: {  	p1 =	seq.s32 s3, $0x9920;
	[sflag:s5] =	ssyncset.done $0x0  }
0x82: {  	s6 =	simm.s32 @!p1 $0x14;
	s12 =	simm.s32 $0x2980;
	[sflag:s5] =	ssyncadd.s32 $0xFFFFEC00  }
0x83: {  	[spmem:s4] =	stream.indirect.scatter.add.f32 [tilespmem:s22], [sflag:$0xC], $0x80, s12, s30, $0xb8;
	[tilespmem:$0x1EF80] =	vst v63  }
0x84: {  	_ =	swait.ge @!p1 [sflag:s6], $0x28  }
0x85: {  	[sflag:s6] =	ssyncset.done @!p1 $0x0  }
0x86: {  	[sflag:s6] =	ssyncadd.s32 @!p1 $0xFFFFFFD8;
	s6 =	simm.s32 @!p1 $0x6  }
0x87: {  	_ =	swait.ge @!p1 [sflag:s6], $0x1400  }
0x88: {  	s8 =	simm.s32 @!p1 $0x2A00;
	[sflag:s6] =	ssyncset.done @!p1 $0x0  }
0x89: {  	s9 =	simm.s32 @!p1 $0x8F00;
	[sflag:s6] =	ssyncadd.s32 @!p1 $0xFFFFEC00;
	s6 =	simm.s32 @!p1 $0x28  }
0x8a: {  	[spmem:s4] =	stream.indirect.scatter.add.f32 @!p1 [tilespmem:s9], [sflag:$0xD], $0x80, s8, s6, $0xb8;
	[tilespmem:$0x1EF80] =	vst v63  }
0x8b: {  	s8 =	simm.s32 @!p1 $0x15  }
0x8c: {  	_ =	swait.ge @!p1 [sflag:s8], $0x28  }
0x8d: {  	[sflag:s8] =	ssyncset.done @!p1 $0x0  }
0x8e: {  	[sflag:s8] =	ssyncadd.s32 @!p1 $0xFFFFFFD8;
	s8 =	simm.s32 @!p1 $0x7  }
0x8f: {  	_ =	swait.ge @!p1 [sflag:s8], $0x1400  }
0x90: {  	[sflag:s8] =	ssyncset.done @!p1 $0x0  }
0x91: {  	s9 =	simm.s32 @!p1 $0xA300;
	[sflag:s8] =	ssyncadd.s32 @!p1 $0xFFFFEC00;
	s8 =	simm.s32 @!p1 $0x2A80  }
0x92: {  	[spmem:s4] =	stream.indirect.scatter.add.f32 @!p1 [tilespmem:s9], [sflag:$0xE], $0x80, s8, s6, $0xb8;
	[tilespmem:$0x1EF80] =	vst v63  }
0x93: {  	s8 =	simm.s32 @!p1 $0x8  }
0x94: {  	_ =	swait.ge @!p1 [sflag:s8], $0x1400  }
0x95: {  	[sflag:s8] =	ssyncset.done @!p1 $0x0  }
0x96: {  	[sflag:s8] =	ssyncadd.s32 @!p1 $0xFFFFEC00;
	s8 =	sshrl.u32 @!p1 s29, $0x3  }
0x97: {  	s10 =	simm.s32 @!p1 $0x2780;
	s9 =	simm.s32 @!p1 $0x0;
	s8 =	sadd.s32 @!p1 s11, s8  }
0x98: {  	[tilespmem:s10], [sflag:$0xF] =	stream.linear.gather @!p1 [hbm4b:s8+s9], $0x28, $0x38;
	[tilespmem:$0x1EF80] =	vst v63  }
0x99: {  	s8 =	sshra.s32 @!p1 s3, $0x2  }
0x9a: {  	s12 =	smov.u32 s11;
	s11 =	simm.s32 @!p1 $0x2B00;
	s10 =	sadd.s32 @!p1 $0x118, s8  }
0x9b: {  	[tilespmem:s11], [sflag:$0x1] =	stream.indirect.gather @!p1 [hbm4b:s1+s6], $0x80, s10, s6, $0xb8;
	[tilespmem:$0x1EF80] =	vst v63  }
0x9c: {  	s10 =	simm.s32 @!p1 $0x9  }
0x9d: {  	_ =	swait.ge @!p1 [sflag:s10], $0x1400  }
0x9e: {  	[sflag:s10] =	ssyncset.done @!p1 $0x0  }
0x9f: {  	s11 =	simm.s32 @!p1 $0x2800;
	[sflag:s10] =	ssyncadd.s32 @!p1 $0xFFFFEC00;
	s10 =	sadd.s32 @!p1 s31, s17  }
0xa0: {  	[tilespmem:s11], [sflag:$0x10] =	stream.linear.gather @!p1 [hbm4b:s10+s9], $0x28, $0x38;
	[tilespmem:$0x1EF80] =	vst v63  }
0xa1: {  	s10 =	sadd.s32 @!p1 $0x140, s8;
	s11 =	simm.s32 @!p1 $0x3F00  }
0xa2: {  	[tilespmem:s11], [sflag:$0x2] =	stream.indirect.gather @!p1 [hbm4b:s1+s6], $0x80, s10, s6, $0xb8;
	[tilespmem:$0x1EF80] =	vst v63  }
0xa3: {  	s10 =	simm.s32 @!p1 $0xA  }
0xa4: {  	_ =	swait.ge @!p1 [sflag:s10], $0x1400  }
0xa5: {  	[sflag:s10] =	ssyncset.done @!p1 $0x0  }
0xa6: {  	s11 =	simm.s32 @!p1 $0x2880;
	[sflag:s10] =	ssyncadd.s32 @!p1 $0xFFFFEC00;
	s10 =	sadd.s32 @!p1 s31, s13  }
0xa7: {  	[tilespmem:s11], [sflag:$0x11] =	stream.linear.gather @!p1 [hbm4b:s10+s9], $0x28, $0x38;
	[tilespmem:$0x1EF80] =	vst v63  }
0xa8: {  	s10 =	sadd.s32 @!p1 $0x168, s8;
	s11 =	simm.s32 @!p1 $0x5300  }
0xa9: {  	[tilespmem:s11], [sflag:$0x3] =	stream.indirect.gather @!p1 [hbm4b:s1+s6], $0x80, s10, s6, $0xb8;
	[tilespmem:$0x1EF80] =	vst v63  }
0xaa: {  	s10 =	simm.s32 @!p1 $0xB  }
0xab: {  	_ =	swait.ge @!p1 [sflag:s10], $0x1400  }
0xac: {  	[sflag:s10] =	ssyncset.done @!p1 $0x0  }
0xad: {  	s11 =	simm.s32 @!p1 $0x2900;
	[sflag:s10] =	ssyncadd.s32 @!p1 $0xFFFFEC00;
	s10 =	sadd.s32 @!p1 s31, s21  }
0xae: {  	[tilespmem:s11], [sflag:$0x12] =	stream.linear.gather @!p1 [hbm4b:s10+s9], $0x28, $0x38;
	[tilespmem:$0x1EF80] =	vst v63  }
0xaf: {  	s10 =	sadd.s32 @!p1 $0x190, s8;
	s11 =	simm.s32 @!p1 $0x6700  }
0xb0: {  	[tilespmem:s11], [sflag:$0x4] =	stream.indirect.gather @!p1 [hbm4b:s1+s6], $0x80, s10, s6, $0xb8;
	[tilespmem:$0x1EF80] =	vst v63  }
0xb1: {  	s10 =	simm.s32 @!p1 $0xC  }
0xb2: {  	_ =	swait.ge @!p1 [sflag:s10], $0x1400  }
0xb3: {  	p2 =	sgt.u32 @!p1 s2, $0x21;
	[sflag:s10] =	ssyncset.done @!p1 $0x0  }
0xb4: {  	s11 =	simm.s32 @!p1 $0x2980;
	[sflag:s10] =	ssyncadd.s32 @!p1 $0xFFFFEC00;
	s10 =	sadd.s32 @!p1 s31, s20  }
0xb5: {  	[tilespmem:s11], [sflag:$0x13] =	stream.linear.gather @!p1 [hbm4b:s10+s9], $0x28, $0x38;
	[tilespmem:$0x1EF80] =	vst v63  }
0xb6: {  	p2 =	por p2, p1;
	s8 =	sadd.s32 @!p1 $0x1B8, s8;
	s9 =	simm.s32 @!p1 $0x7B00  }
0xb7: {  	[tilespmem:s9], [sflag:$0x5] =	stream.indirect.gather @!p1 [hbm4b:s1+s6], $0x80, s8, s6, $0xb8;
	[tilespmem:$0x1EF80] =	vst v63  }
0xb8: {  	s6 =	simm.s32 @!p2 $0xD  }
0xb9: {  	_ =	swait.ge @!p2 [sflag:s6], $0x1400  }
0xba: {  	s8 =	simm.s32 @!p2 $0x0;
	[sflag:s6] =	ssyncset.done @!p2 $0x0  }
0xbb: {  	s9 =	simm.s32 @!p2 $0x2A00;
	[sflag:s6] =	ssyncadd.s32 @!p2 $0xFFFFEC00;
	s6 =	sadd.s32 @!p2 s31, s19  }
0xbc: {  	[tilespmem:s9], [sflag:$0x14] =	stream.linear.gather @!p2 [hbm4b:s6+s8], $0x28, $0x38;
	[tilespmem:$0x1EF80] =	vst v63  }
0xbd: {  	s6 =	sshra.s32 @!p2 s3, $0x2  }
0xbe: {  	s10 =	simm.s32 @!p2 $0x28;
	s11 =	simm.s32 @!p2 $0x8F00;
	s9 =	sadd.s32 @!p2 $0x1E0, s6  }
0xbf: {  	[tilespmem:s11], [sflag:$0x6] =	stream.indirect.gather @!p2 [hbm4b:s1+s10], $0x80, s9, s10, $0xb8;
	[tilespmem:$0x1EF80] =	vst v63  }
0xc0: {  	s9 =	simm.s32 @!p2 $0xE  }
0xc1: {  	_ =	swait.ge @!p2 [sflag:s9], $0x1400  }
0xc2: {  	[sflag:s9] =	ssyncset.done @!p2 $0x0  }
0xc3: {  	s11 =	simm.s32 @!p2 $0x2A80;
	[sflag:s9] =	ssyncadd.s32 @!p2 $0xFFFFEC00;
	s9 =	sadd.s32 @!p2 s31, s18  }
0xc4: {  	[tilespmem:s11], [sflag:$0x15] =	stream.linear.gather @!p2 [hbm4b:s9+s8], $0x28, $0x38;
	[tilespmem:$0x1EF80] =	vst v63  }
0xc5: {  	s3 =	sadd.s32 @!p1 $0x460, s3;
	s6 =	sadd.s32 @!p2 $0x208, s6;
	s8 =	simm.s32 @!p2 $0xA300  }
0xc6: {  	[tilespmem:s8], [sflag:$0x7] =	stream.indirect.gather @!p2 [hbm4b:s1+s10], $0x80, s6, s10, $0xb8;
	[tilespmem:$0x1EF80] =	vst v63  }
0xc7: {  	p2 =	sne.s32 @!p1 s3, $0x9D80  }
0xc8: {  	p2 =	por p1, !p2  }
.Ltmp2:
0xc9: {  	_ = 	snop;
	(pc) =	sbr.rel @!p2 .LBB2_6-.Ltmp2, $4  }
0xca: {  	_ = 	snop  }
0xcb: {  	s2 =	sadd.s32 @!p1 $0x1, s2  }
0xcc: {  	s29 =	sadd.s32 @!p1 $0x118, s29;
	s31 =	sadd.s32 @!p1 $0x23, s31;
	s9 =	simm.s32 $0x2780  }
0xcd: {  	s11 =	smov.u32 s12;
	s12 =	simm.s32 $0x2800;
	s10 =	simm.s32 $0x2B00  }
0xce: {  	s2 =	simm.s32 $0x8  }
0xcf: {  	_ =	swait.ge [sflag:s2], $0x1400  }
0xd0: {  	[sflag:s2] =	ssyncset.done $0x0  }
0xd1: {  	s6 =	simm.s32 $0x9;
	[sflag:s2] =	ssyncadd.s32 $0xFFFFEC00  }
0xd2: {  	_ =	swait.ge [sflag:s6], $0x1400  }
0xd3: {  	[sflag:s6] =	ssyncset.done $0x0  }
0xd4: {  	s8 =	simm.s32 $0xA;
	[sflag:s6] =	ssyncadd.s32 $0xFFFFEC00  }
0xd5: {  	_ =	swait.ge [sflag:s8], $0x1400  }
0xd6: {  	[sflag:s8] =	ssyncset.done $0x0  }
0xd7: {  	s17 =	simm.s32 $0xB;
	[sflag:s8] =	ssyncadd.s32 $0xFFFFEC00  }
0xd8: {  	_ =	swait.ge [sflag:s17], $0x1400  }
0xd9: {  	[sflag:s17] =	ssyncset.done $0x0  }
0xda: {  	s22 =	simm.s32 $0xC;
	[sflag:s17] =	ssyncadd.s32 $0xFFFFEC00  }
0xdb: {  	_ =	swait.ge [sflag:s22], $0x1400  }
0xdc: {  	[sflag:s22] =	ssyncset.done $0x0  }
0xdd: {  	s3 =	simm.s32 $0xD;
	[sflag:s22] =	ssyncadd.s32 $0xFFFFEC00  }
0xde: {  	_ =	swait.ge [sflag:s3], $0x1400  }
0xdf: {  	[sflag:s3] =	ssyncset.done $0x0  }
0xe0: {  	s6 =	simm.s32 $0xE;
	[sflag:s3] =	ssyncadd.s32 $0xFFFFEC00  }
0xe1: {  	_ =	swait.ge [sflag:s6], $0x1400  }
0xe2: {  	[sflag:s6] =	ssyncset.done $0x0  }
0xe3: {  	[sflag:s6] =	ssyncadd.s32 $0xFFFFEC00  }
0xe4: {  	[bflag:$0x0] =	sbarrier.arrive $0xFFFF  }
0xe5: {  	s8 =	sshll.u32 s0, $0x6;
	s3 =	rddreg [dreg:$0xd]  }
0xe6: {  	s2 =	sor.u32 $0x1C16, s8;
	s8 =	simm.s32 $0x16;
	s6 =	rddreg [dreg:$0x11]  }
0xe7: {  	[hbm:s3], [sflag:s2] =	dma.local [spmem:s6], $0x1900  }
0xe8: {  	_ =	swait.ge [sflag:s8], $0x1900  }
0xe9: {  	[sflag:s8] =	ssyncset.done $0x0;
	s3 =	rddreg [dreg:$0xe]  }
0xea: {  	s6 =	rddreg [dreg:$0x12];
	[sflag:s8] =	ssyncadd.s32 $0xFFFFE700  }
0xeb: {  	[hbm:s3], [sflag:s2] =	dma.local @!p0 [spmem:s6], $0x1900  }
0xec: {  	s2 =	simm.s32 @!p0 $0x16  }
0xed: {  	_ =	swait.ge @!p0 [sflag:s2], $0x1900  }
0xee: {  	s17 =	rddreg [dreg:$0x15]  }
0xef: {  	s22 =	rddreg [dreg:$0xc];
	s6 =	sadd.s32 $0x1, s17  }
0xf0: {  	p1 =	sne.s32 s6, s22  }
.Ltmp3:
0xf1: {  	_ = 	snop;
	(pc) =	sbr.rel @p1 .LBB2_1-.Ltmp3, $4  }
0xf2: {  	_ = 	snop  }
0xf3: {  	s29 =	simm.s32 $0x5300;
	[sflag:s2] =	ssyncset.done @!p0 $0x0  }
0xf4: {  	s31 =	simm.s32 $0x6700;
	[sflag:s2] =	ssyncadd.s32 @!p0 $0xFFFFE700;
	s17 =	simm.s32 $0x2880  }
0xf5: {  	[dreg:$0x15] =	wrdreg s6;
	s6 =	simm.s32 $0x3F00;
	s22 =	simm.s32 $0x2900  }
0xf6: {  	_ =	sfence.sel $0x180000  }
0xf7: {  	[bflag:$0x0] =	sbarrier.arrive $0xFFFF  }
0xf8: {  	_ =	strace $0x90000047  }
0xf9: {  	[bflag:$0x2] =	sbarrier.arrive $0xFFFF  }
0xfa: {  	p0 =	sne.s32 s0, $0x0;
	s0 =	rddreg [dreg:$0x4]  }
0xfb: {  	s0 =	sadd.s32 @!p0 $0x100000, s0  }
0xfc: {  	[sflag:s0] =	ssyncadd.tile.s32 @!p0 $0x1;
	_ =	shalt  }
.Lfunc_end2:
_tile_overlayer_lowered:
.L_overlay_start_2:
0xfd: {  	(tag) =	ssettag $0x2  }
0xfe: {  	s0 =	rddreg [dreg:$0x0];
	s2 =	stileid.u32  }
0xff: {  	s1 =	rddreg [dreg:$0x1];
	p0 =	sne.s32 s2, $0x0  }
0x100: {  	s3 =	rddreg [dreg:$0x2];
	[bflag:$0x3] =	sbarrier.arrive $0xFFFF;
	s2 =	simm.s32 @!p0 $0x1C16  }
0x101: {  	[timem:s3], [sflag:s2] =	dma.local @!p0 [hbm:s0], s1  }
0x102: {  	s0 =	simm.s32 @!p0 $0x16  }
0x103: {  	_ =	swait.ge @!p0 [sflag:s0], s1  }
0x104: {  	s1 =	ssub.s32 @!p0 $0x0, s1;
	[sflag:s0] =	ssyncset.done @!p0 $0x0  }
0x105: {  	[sflag:s0] =	ssyncadd.s32 @!p0 s1  }
0x106: {  	[bflag:$0x3] =	sbarrier.arrive $0xFFFF  }
0x107: {  	_ =	shalt  }

</sc_bundles>
